<compile_context>
chip_gen: v7x
topology: tpu7x:2x2x1
jax: 0.10.2.dev20260603
libtpu: 0.0.44.dev20260713+nightly
codegen_flags: <defaults>
</compile_context>

<pallas_src>
import functools

import jax
import jax.numpy as jnp
from jax import lax
from jax.experimental import pallas as pl
from jax.experimental.pallas import tpu as pltpu
from jax.experimental.pallas import tpu_sc as plsc

T, K, D, F, E = 32, 8, 1024, 512, 64

EB = 2
L = 16



NWORK = 32
EPW = E // NWORK


def _combine_sc_body(ids_hbm, w_hbm, out_hbm, ids_v, w_v, c_v):
    wid = lax.axis_index("s") * 2 + lax.axis_index("c")
    pltpu.sync_copy(ids_hbm, ids_v)
    pltpu.sync_copy(w_hbm, w_v)
    for j in range(EPW):
        e = wid * EPW + j
        for h in range(T // L):
            acc = jnp.zeros((L,), jnp.float32)
            for k in range(K):
                off = k * T + h * L
                idv = ids_v[pl.ds(off, L)]
                wv = w_v[pl.ds(off, L)]
                acc = acc + jnp.where(idv == e, wv, jnp.zeros((L,), jnp.float32))
            c_v[pl.ds(j * T + h * L, L)] = acc
    pltpu.sync_copy(c_v, out_hbm.at[pl.ds(wid * EPW * T, EPW * T)])


@functools.partial(
    pl.kernel,
    mesh=plsc.VectorSubcoreMesh(core_axis_name="c", subcore_axis_name="s"),
    out_type=jax.ShapeDtypeStruct((E * T,), jnp.float32),
    scratch_types=[
        pltpu.VMEM((K * T,), jnp.int32),
        pltpu.VMEM((K * T,), jnp.float32),
        pltpu.VMEM((EPW * T,), jnp.float32),
    ],
)
def _combine_sc(ids_hbm, w_hbm, out_hbm, ids_v, w_v, c_v):
    _combine_sc_body(ids_hbm, w_hbm, out_hbm, ids_v, w_v, c_v)



def _moe_kernel(c_ref, x_ref, wg_ref, wu_ref, wd_ref, o_ref):
    step = pl.program_id(0)

    @pl.when(step == 0)
    def _init():
        o_ref[...] = jnp.zeros_like(o_ref)

    x = x_ref[...]
    acc = jnp.zeros((T, D), jnp.float32)
    for j in range(EB):
        c = c_ref[0, j]
        g = jax.lax.dot_general(x, wg_ref[j], (((1,), (1,)), ((), ())),
                                preferred_element_type=jnp.float32)
        u = jax.lax.dot_general(x, wu_ref[j], (((1,), (1,)), ((), ())),
                                preferred_element_type=jnp.float32)
        act = (g * jax.nn.sigmoid(g)) * u
        eo = jax.lax.dot_general(act, wd_ref[j], (((1,), (1,)), ((), ())),
                                 preferred_element_type=jnp.float32)
        acc = acc + eo * c[:, None]
    o_ref[...] += acc


def kernel(hidden_states, top_k_index, top_k_weights, w_gate, w_up, w_down):
    ids_kmaj = top_k_index.T.reshape(-1)
    w_kmaj = top_k_weights.T.reshape(-1).astype(jnp.float32)
    c = _combine_sc(ids_kmaj, w_kmaj)
    c = c.reshape(E // EB, EB, T)

    out = pl.pallas_call(
        _moe_kernel,
        grid=(E // EB,),
        in_specs=[
            pl.BlockSpec((1, EB, T), lambda e: (e, 0, 0)),
            pl.BlockSpec((T, D), lambda e: (0, 0)),
            pl.BlockSpec((EB, F, D), lambda e: (e, 0, 0)),
            pl.BlockSpec((EB, F, D), lambda e: (e, 0, 0)),
            pl.BlockSpec((EB, D, F), lambda e: (e, 0, 0)),
        ],
        out_specs=pl.BlockSpec((T, D), lambda e: (0, 0)),
        out_shape=jax.ShapeDtypeStruct((T, D), jnp.float32),
    )(c, hidden_states, w_gate, w_up, w_down)
    return out

# --- scband reference (transcript-rebuilt; emitter-appended) ---
"""Pipeline reference for scband-paged-moe-python-qwen35-experts-73684458930297 (READ-ONLY COPY).

The authoritative reference and input builder live on the scoring server;
editing this copy changes nothing except your own understanding.
"""

import jax, jax.numpy as jnp
import numpy as np

T, K, D, F, E = 32, 8, 1024, 512, 64

def setup_inputs(seed: int = 0) -> dict:
    key = jax.random.key(seed)
    ks = jax.random.split(key, 6)
    hidden_states = jax.random.normal(ks[0], (T, D), dtype=jnp.float32)
    top_k_index = jax.random.randint(ks[1], (T, K), 0, E, dtype=jnp.int32)
    top_k_weights = jax.random.uniform(ks[2], (T, K), dtype=jnp.float32)
    w_gate = jax.random.normal(ks[3], (E, F, D), dtype=jnp.float32) * 0.02
    w_up = jax.random.normal(ks[4], (E, F, D), dtype=jnp.float32) * 0.02
    w_down = jax.random.normal(ks[5], (E, D, F), dtype=jnp.float32) * 0.02
    return {
        'hidden_states': hidden_states,
        'top_k_index': top_k_index,
        'top_k_weights': top_k_weights,
        'w_gate': w_gate,
        'w_up': w_up,
        'w_down': w_down,
    }

def reference(hidden_states, top_k_index, top_k_weights, w_gate, w_up, w_down):
    # Faithful math of the paged-MoE routed expert path: for each token,
    # run each of its top-k experts (Qwen3.5-style SwiGLU expert MLP executed
    # by the runtime), scale each expert output by its router weight, and
    # sum over the k slots. The original loops per token / per expert via a
    # paged runtime; the math is a gather of expert weight pages + per-token MLP.
    x = hidden_states.reshape(-1, hidden_states.shape[-1])  # [T, D]
    ids = top_k_index.reshape(-1, top_k_index.shape[-1])    # [T, K]
    w = top_k_weights.reshape(-1, top_k_weights.shape[-1]).astype(jnp.float32)  # [T, K]
    wg = jnp.take(w_gate, ids, axis=0)  # [T, K, F, D] (paged weight reads)
    wu = jnp.take(w_up, ids, axis=0)    # [T, K, F, D]
    wd = jnp.take(w_down, ids, axis=0)  # [T, K, D, F]
    g = jnp.einsum('td,tkfd->tkf', x, wg)
    u = jnp.einsum('td,tkfd->tkf', x, wu)
    act = jax.nn.silu(g) * u
    expert_out = jnp.einsum('tkf,tkdf->tkd', act, wd)  # [T, K, D]
    weighted = expert_out * w[..., None]
    final = weighted.sum(axis=1)  # [T, D] (float32 accumulation as in the module)
    return final.reshape(hidden_states.shape)

if __name__ == "__main__":
    import jax
    _d = setup_inputs()
    print(jax.jit(kernel)(*tuple(_d.values())))

</pallas_src>

<mosaic_0001>
#map = affine_map<(d0, d1) -> (0)>
module attributes {stable_mosaic.version = 14 : i64} {
  func.func @_combine_sc(%arg0: i32, %arg1: i32, %arg2: memref<256xi32, #tpu.memory_space<hbm>>, %arg3: memref<256xf32, #tpu.memory_space<hbm>>, %arg4: memref<2048xf32, #tpu.memory_space<hbm>>, %arg5: memref<256xi32, #tpu.memory_space<vmem>>, %arg6: memref<256xf32, #tpu.memory_space<vmem>>, %arg7: memref<64xf32, #tpu.memory_space<vmem>>) attributes {dimension_semantics = [#tpu.dimension_semantics<core_parallel>, #tpu.dimension_semantics<subcore_parallel>], iteration_bounds = array<i64: 2, 16>, scalar_prefetch = 0 : i64, scratch_operands = 3 : i64, tpu.core_type = #tpu.core_type<sc_vector_subcore>, window_params = [{transform_indices = #map}, {transform_indices = #map}, {transform_indices = #map}]} {
    %mul3A = arith.constant 2 : i32
    %mul3A_0 = arith.muli %arg1, %mul3A : i32
    %add3A = arith.addi %mul3A_0, %arg0 : i32
    "tpu.region"() ({
      %run_scoped3A = tpu.sem_alloc : memref<!tpu.dma_semaphore, #tpu.memory_space<semaphore_mem>>
      tpu.enqueue_dma source(%arg2 : memref<256xi32, #tpu.memory_space<hbm>>) target(%arg5 : memref<256xi32, #tpu.memory_space<vmem>>) target_semaphore(%run_scoped3A : memref<!tpu.dma_semaphore, #tpu.memory_space<semaphore_mem>>)
      tpu.wait_dma2 semaphore(%run_scoped3A : memref<!tpu.dma_semaphore, #tpu.memory_space<semaphore_mem>>) src(%arg2 : memref<256xi32, #tpu.memory_space<hbm>>) dst(%arg5 : memref<256xi32, #tpu.memory_space<vmem>>)
      tpu.yield
    }) : () -> ()
    "tpu.region"() ({
      %run_scoped3A = tpu.sem_alloc : memref<!tpu.dma_semaphore, #tpu.memory_space<semaphore_mem>>
      tpu.enqueue_dma source(%arg3 : memref<256xf32, #tpu.memory_space<hbm>>) target(%arg6 : memref<256xf32, #tpu.memory_space<vmem>>) target_semaphore(%run_scoped3A : memref<!tpu.dma_semaphore, #tpu.memory_space<semaphore_mem>>)
      tpu.wait_dma2 semaphore(%run_scoped3A : memref<!tpu.dma_semaphore, #tpu.memory_space<semaphore_mem>>) src(%arg3 : memref<256xf32, #tpu.memory_space<hbm>>) dst(%arg6 : memref<256xf32, #tpu.memory_space<vmem>>)
      tpu.yield
    }) : () -> ()
    %mul3A_1 = arith.constant 2 : i32
    %mul3A_2 = arith.muli %add3A, %mul3A_1 : i32
    %add3A_3 = arith.constant 0 : i32
    %add3A_4 = arith.addi %mul3A_2, %add3A_3 : i32
    %broadcast_in_dim3A = arith.constant 0.000000e+00 : f32
    %broadcast_in_dim3A_5 = vector.broadcast %broadcast_in_dim3A : f32 to vector<16xf32>
    %get3A = arith.constant 0 : index
    %get3A_6 = tpu.vector_load %arg5[%get3A] {strides = array<i32>} : memref<256xi32, #tpu.memory_space<vmem>>, vector<16xi32>,
    %get3A_7 = vector.shape_cast %get3A_6 : vector<16xi32> to vector<16xi32>
    %get3A_8 = arith.constant 0 : index
    %get3A_9 = tpu.vector_load %arg6[%get3A_8] {strides = array<i32>} : memref<256xf32, #tpu.memory_space<vmem>>, vector<16xf32>,
    %get3A_10 = vector.shape_cast %get3A_9 : vector<16xf32> to vector<16xf32>
    %eq3A = vector.broadcast %add3A_4 : i32 to vector<16xi32>
    %eq3A_11 = arith.cmpi eq, %get3A_7, %eq3A : vector<16xi32>
    %broadcast_in_dim3A_12 = arith.constant 0.000000e+00 : f32
    %broadcast_in_dim3A_13 = vector.broadcast %broadcast_in_dim3A_12 : f32 to vector<16xf32>
    %select_n3A = arith.select %eq3A_11, %get3A_10, %broadcast_in_dim3A_13 : vector<16xi1>, vector<16xf32>
    %add3A_14 = arith.addf %broadcast_in_dim3A_5, %select_n3A : vector<16xf32>
    %get3A_15 = arith.constant 32 : index
    %get3A_16 = tpu.vector_load %arg5[%get3A_15] {strides = array<i32>} : memref<256xi32, #tpu.memory_space<vmem>>, vector<16xi32>,
    %get3A_17 = vector.shape_cast %get3A_16 : vector<16xi32> to vector<16xi32>
    %get3A_18 = arith.constant 32 : index
    %get3A_19 = tpu.vector_load %arg6[%get3A_18] {strides = array<i32>} : memref<256xf32, #tpu.memory_space<vmem>>, vector<16xf32>,
    %get3A_20 = vector.shape_cast %get3A_19 : vector<16xf32> to vector<16xf32>
    %eq3A_21 = vector.broadcast %add3A_4 : i32 to vector<16xi32>
    %eq3A_22 = arith.cmpi eq, %get3A_17, %eq3A_21 : vector<16xi32>
    %broadcast_in_dim3A_23 = arith.constant 0.000000e+00 : f32
    %broadcast_in_dim3A_24 = vector.broadcast %broadcast_in_dim3A_23 : f32 to vector<16xf32>
    %select_n3A_25 = arith.select %eq3A_22, %get3A_20, %broadcast_in_dim3A_24 : vector<16xi1>, vector<16xf32>
    %add3A_26 = arith.addf %add3A_14, %select_n3A_25 : vector<16xf32>
    %get3A_27 = arith.constant 64 : index
    %get3A_28 = tpu.vector_load %arg5[%get3A_27] {strides = array<i32>} : memref<256xi32, #tpu.memory_space<vmem>>, vector<16xi32>,
    %get3A_29 = vector.shape_cast %get3A_28 : vector<16xi32> to vector<16xi32>
    %get3A_30 = arith.constant 64 : index
    %get3A_31 = tpu.vector_load %arg6[%get3A_30] {strides = array<i32>} : memref<256xf32, #tpu.memory_space<vmem>>, vector<16xf32>,
    %get3A_32 = vector.shape_cast %get3A_31 : vector<16xf32> to vector<16xf32>
    %eq3A_33 = vector.broadcast %add3A_4 : i32 to vector<16xi32>
    %eq3A_34 = arith.cmpi eq, %get3A_29, %eq3A_33 : vector<16xi32>
    %broadcast_in_dim3A_35 = arith.constant 0.000000e+00 : f32
    %broadcast_in_dim3A_36 = vector.broadcast %broadcast_in_dim3A_35 : f32 to vector<16xf32>
    %select_n3A_37 = arith.select %eq3A_34, %get3A_32, %broadcast_in_dim3A_36 : vector<16xi1>, vector<16xf32>
    %add3A_38 = arith.addf %add3A_26, %select_n3A_37 : vector<16xf32>
    %get3A_39 = arith.constant 96 : index
    %get3A_40 = tpu.vector_load %arg5[%get3A_39] {strides = array<i32>} : memref<256xi32, #tpu.memory_space<vmem>>, vector<16xi32>,
    %get3A_41 = vector.shape_cast %get3A_40 : vector<16xi32> to vector<16xi32>
    %get3A_42 = arith.constant 96 : index
    %get3A_43 = tpu.vector_load %arg6[%get3A_42] {strides = array<i32>} : memref<256xf32, #tpu.memory_space<vmem>>, vector<16xf32>,
    %get3A_44 = vector.shape_cast %get3A_43 : vector<16xf32> to vector<16xf32>
    %eq3A_45 = vector.broadcast %add3A_4 : i32 to vector<16xi32>
    %eq3A_46 = arith.cmpi eq, %get3A_41, %eq3A_45 : vector<16xi32>
    %broadcast_in_dim3A_47 = arith.constant 0.000000e+00 : f32
    %broadcast_in_dim3A_48 = vector.broadcast %broadcast_in_dim3A_47 : f32 to vector<16xf32>
    %select_n3A_49 = arith.select %eq3A_46, %get3A_44, %broadcast_in_dim3A_48 : vector<16xi1>, vector<16xf32>
    %add3A_50 = arith.addf %add3A_38, %select_n3A_49 : vector<16xf32>
    %get3A_51 = arith.constant 128 : index
    %get3A_52 = tpu.vector_load %arg5[%get3A_51] {strides = array<i32>} : memref<256xi32, #tpu.memory_space<vmem>>, vector<16xi32>,
    %get3A_53 = vector.shape_cast %get3A_52 : vector<16xi32> to vector<16xi32>
    %get3A_54 = arith.constant 128 : index
    %get3A_55 = tpu.vector_load %arg6[%get3A_54] {strides = array<i32>} : memref<256xf32, #tpu.memory_space<vmem>>, vector<16xf32>,
    %get3A_56 = vector.shape_cast %get3A_55 : vector<16xf32> to vector<16xf32>
    %eq3A_57 = vector.broadcast %add3A_4 : i32 to vector<16xi32>
    %eq3A_58 = arith.cmpi eq, %get3A_53, %eq3A_57 : vector<16xi32>
    %broadcast_in_dim3A_59 = arith.constant 0.000000e+00 : f32
    %broadcast_in_dim3A_60 = vector.broadcast %broadcast_in_dim3A_59 : f32 to vector<16xf32>
    %select_n3A_61 = arith.select %eq3A_58, %get3A_56, %broadcast_in_dim3A_60 : vector<16xi1>, vector<16xf32>
    %add3A_62 = arith.addf %add3A_50, %select_n3A_61 : vector<16xf32>
    %get3A_63 = arith.constant 160 : index
    %get3A_64 = tpu.vector_load %arg5[%get3A_63] {strides = array<i32>} : memref<256xi32, #tpu.memory_space<vmem>>, vector<16xi32>,
    %get3A_65 = vector.shape_cast %get3A_64 : vector<16xi32> to vector<16xi32>
    %get3A_66 = arith.constant 160 : index
    %get3A_67 = tpu.vector_load %arg6[%get3A_66] {strides = array<i32>} : memref<256xf32, #tpu.memory_space<vmem>>, vector<16xf32>,
    %get3A_68 = vector.shape_cast %get3A_67 : vector<16xf32> to vector<16xf32>
    %eq3A_69 = vector.broadcast %add3A_4 : i32 to vector<16xi32>
    %eq3A_70 = arith.cmpi eq, %get3A_65, %eq3A_69 : vector<16xi32>
    %broadcast_in_dim3A_71 = arith.constant 0.000000e+00 : f32
    %broadcast_in_dim3A_72 = vector.broadcast %broadcast_in_dim3A_71 : f32 to vector<16xf32>
    %select_n3A_73 = arith.select %eq3A_70, %get3A_68, %broadcast_in_dim3A_72 : vector<16xi1>, vector<16xf32>
    %add3A_74 = arith.addf %add3A_62, %select_n3A_73 : vector<16xf32>
    %get3A_75 = arith.constant 192 : index
    %get3A_76 = tpu.vector_load %arg5[%get3A_75] {strides = array<i32>} : memref<256xi32, #tpu.memory_space<vmem>>, vector<16xi32>,
    %get3A_77 = vector.shape_cast %get3A_76 : vector<16xi32> to vector<16xi32>
    %get3A_78 = arith.constant 192 : index
    %get3A_79 = tpu.vector_load %arg6[%get3A_78] {strides = array<i32>} : memref<256xf32, #tpu.memory_space<vmem>>, vector<16xf32>,
    %get3A_80 = vector.shape_cast %get3A_79 : vector<16xf32> to vector<16xf32>
    %eq3A_81 = vector.broadcast %add3A_4 : i32 to vector<16xi32>
    %eq3A_82 = arith.cmpi eq, %get3A_77, %eq3A_81 : vector<16xi32>
    %broadcast_in_dim3A_83 = arith.constant 0.000000e+00 : f32
    %broadcast_in_dim3A_84 = vector.broadcast %broadcast_in_dim3A_83 : f32 to vector<16xf32>
    %select_n3A_85 = arith.select %eq3A_82, %get3A_80, %broadcast_in_dim3A_84 : vector<16xi1>, vector<16xf32>
    %add3A_86 = arith.addf %add3A_74, %select_n3A_85 : vector<16xf32>
    %get3A_87 = arith.constant 224 : index
    %get3A_88 = tpu.vector_load %arg5[%get3A_87] {strides = array<i32>} : memref<256xi32, #tpu.memory_space<vmem>>, vector<16xi32>,
    %get3A_89 = vector.shape_cast %get3A_88 : vector<16xi32> to vector<16xi32>
    %get3A_90 = arith.constant 224 : index
    %get3A_91 = tpu.vector_load %arg6[%get3A_90] {strides = array<i32>} : memref<256xf32, #tpu.memory_space<vmem>>, vector<16xf32>,
    %get3A_92 = vector.shape_cast %get3A_91 : vector<16xf32> to vector<16xf32>
    %eq3A_93 = vector.broadcast %add3A_4 : i32 to vector<16xi32>
    %eq3A_94 = arith.cmpi eq, %get3A_89, %eq3A_93 : vector<16xi32>
    %broadcast_in_dim3A_95 = arith.constant 0.000000e+00 : f32
    %broadcast_in_dim3A_96 = vector.broadcast %broadcast_in_dim3A_95 : f32 to vector<16xf32>
    %select_n3A_97 = arith.select %eq3A_94, %get3A_92, %broadcast_in_dim3A_96 : vector<16xi1>, vector<16xf32>
    %add3A_98 = arith.addf %add3A_86, %select_n3A_97 : vector<16xf32>
    %swap3A = arith.constant 0 : index
    %swap3A_99 = tpu.vector_load %arg7[%swap3A] {strides = array<i32>} : memref<64xf32, #tpu.memory_space<vmem>>, vector<16xf32>,
    %swap3A_100 = vector.shape_cast %swap3A_99 : vector<16xf32> to vector<16xf32>
    %swap3A_101 = vector.shape_cast %add3A_98 : vector<16xf32> to vector<16xf32>
    tpu.vector_store %arg7[%swap3A], %swap3A_101 {strides = array<i32>} : memref<64xf32, #tpu.memory_space<vmem>>, vector<16xf32>,
    %broadcast_in_dim3A_102 = arith.constant 0.000000e+00 : f32
    %broadcast_in_dim3A_103 = vector.broadcast %broadcast_in_dim3A_102 : f32 to vector<16xf32>
    %get3A_104 = arith.constant 16 : index
    %get3A_105 = tpu.vector_load %arg5[%get3A_104] {strides = array<i32>} : memref<256xi32, #tpu.memory_space<vmem>>, vector<16xi32>,
    %get3A_106 = vector.shape_cast %get3A_105 : vector<16xi32> to vector<16xi32>
    %get3A_107 = arith.constant 16 : index
    %get3A_108 = tpu.vector_load %arg6[%get3A_107] {strides = array<i32>} : memref<256xf32, #tpu.memory_space<vmem>>, vector<16xf32>,
    %get3A_109 = vector.shape_cast %get3A_108 : vector<16xf32> to vector<16xf32>
    %eq3A_110 = vector.broadcast %add3A_4 : i32 to vector<16xi32>
    %eq3A_111 = arith.cmpi eq, %get3A_106, %eq3A_110 : vector<16xi32>
    %broadcast_in_dim3A_112 = arith.constant 0.000000e+00 : f32
    %broadcast_in_dim3A_113 = vector.broadcast %broadcast_in_dim3A_112 : f32 to vector<16xf32>
    %select_n3A_114 = arith.select %eq3A_111, %get3A_109, %broadcast_in_dim3A_113 : vector<16xi1>, vector<16xf32>
    %add3A_115 = arith.addf %broadcast_in_dim3A_103, %select_n3A_114 : vector<16xf32>
    %get3A_116 = arith.constant 48 : index
    %get3A_117 = tpu.vector_load %arg5[%get3A_116] {strides = array<i32>} : memref<256xi32, #tpu.memory_space<vmem>>, vector<16xi32>,
    %get3A_118 = vector.shape_cast %get3A_117 : vector<16xi32> to vector<16xi32>
    %get3A_119 = arith.constant 48 : index
    %get3A_120 = tpu.vector_load %arg6[%get3A_119] {strides = array<i32>} : memref<256xf32, #tpu.memory_space<vmem>>, vector<16xf32>,
    %get3A_121 = vector.shape_cast %get3A_120 : vector<16xf32> to vector<16xf32>
    %eq3A_122 = vector.broadcast %add3A_4 : i32 to vector<16xi32>
    %eq3A_123 = arith.cmpi eq, %get3A_118, %eq3A_122 : vector<16xi32>
    %broadcast_in_dim3A_124 = arith.constant 0.000000e+00 : f32
    %broadcast_in_dim3A_125 = vector.broadcast %broadcast_in_dim3A_124 : f32 to vector<16xf32>
    %select_n3A_126 = arith.select %eq3A_123, %get3A_121, %broadcast_in_dim3A_125 : vector<16xi1>, vector<16xf32>
    %add3A_127 = arith.addf %add3A_115, %select_n3A_126 : vector<16xf32>
    %get3A_128 = arith.constant 80 : index
    %get3A_129 = tpu.vector_load %arg5[%get3A_128] {strides = array<i32>} : memref<256xi32, #tpu.memory_space<vmem>>, vector<16xi32>,
    %get3A_130 = vector.shape_cast %get3A_129 : vector<16xi32> to vector<16xi32>
    %get3A_131 = arith.constant 80 : index
    %get3A_132 = tpu.vector_load %arg6[%get3A_131] {strides = array<i32>} : memref<256xf32, #tpu.memory_space<vmem>>, vector<16xf32>,
    %get3A_133 = vector.shape_cast %get3A_132 : vector<16xf32> to vector<16xf32>
    %eq3A_134 = vector.broadcast %add3A_4 : i32 to vector<16xi32>
    %eq3A_135 = arith.cmpi eq, %get3A_130, %eq3A_134 : vector<16xi32>
    %broadcast_in_dim3A_136 = arith.constant 0.000000e+00 : f32
    %broadcast_in_dim3A_137 = vector.broadcast %broadcast_in_dim3A_136 : f32 to vector<16xf32>
    %select_n3A_138 = arith.select %eq3A_135, %get3A_133, %broadcast_in_dim3A_137 : vector<16xi1>, vector<16xf32>
    %add3A_139 = arith.addf %add3A_127, %select_n3A_138 : vector<16xf32>
    %get3A_140 = arith.constant 112 : index
    %get3A_141 = tpu.vector_load %arg5[%get3A_140] {strides = array<i32>} : memref<256xi32, #tpu.memory_space<vmem>>, vector<16xi32>,
    %get3A_142 = vector.shape_cast %get3A_141 : vector<16xi32> to vector<16xi32>
    %get3A_143 = arith.constant 112 : index
    %get3A_144 = tpu.vector_load %arg6[%get3A_143] {strides = array<i32>} : memref<256xf32, #tpu.memory_space<vmem>>, vector<16xf32>,
    %get3A_145 = vector.shape_cast %get3A_144 : vector<16xf32> to vector<16xf32>
    %eq3A_146 = vector.broadcast %add3A_4 : i32 to vector<16xi32>
    %eq3A_147 = arith.cmpi eq, %get3A_142, %eq3A_146 : vector<16xi32>
    %broadcast_in_dim3A_148 = arith.constant 0.000000e+00 : f32
    %broadcast_in_dim3A_149 = vector.broadcast %broadcast_in_dim3A_148 : f32 to vector<16xf32>
    %select_n3A_150 = arith.select %eq3A_147, %get3A_145, %broadcast_in_dim3A_149 : vector<16xi1>, vector<16xf32>
    %add3A_151 = arith.addf %add3A_139, %select_n3A_150 : vector<16xf32>
    %get3A_152 = arith.constant 144 : index
    %get3A_153 = tpu.vector_load %arg5[%get3A_152] {strides = array<i32>} : memref<256xi32, #tpu.memory_space<vmem>>, vector<16xi32>,
    %get3A_154 = vector.shape_cast %get3A_153 : vector<16xi32> to vector<16xi32>
    %get3A_155 = arith.constant 144 : index
    %get3A_156 = tpu.vector_load %arg6[%get3A_155] {strides = array<i32>} : memref<256xf32, #tpu.memory_space<vmem>>, vector<16xf32>,
    %get3A_157 = vector.shape_cast %get3A_156 : vector<16xf32> to vector<16xf32>
    %eq3A_158 = vector.broadcast %add3A_4 : i32 to vector<16xi32>
    %eq3A_159 = arith.cmpi eq, %get3A_154, %eq3A_158 : vector<16xi32>
    %broadcast_in_dim3A_160 = arith.constant 0.000000e+00 : f32
    %broadcast_in_dim3A_161 = vector.broadcast %broadcast_in_dim3A_160 : f32 to vector<16xf32>
    %select_n3A_162 = arith.select %eq3A_159, %get3A_157, %broadcast_in_dim3A_161 : vector<16xi1>, vector<16xf32>
    %add3A_163 = arith.addf %add3A_151, %select_n3A_162 : vector<16xf32>
    %get3A_164 = arith.constant 176 : index
    %get3A_165 = tpu.vector_load %arg5[%get3A_164] {strides = array<i32>} : memref<256xi32, #tpu.memory_space<vmem>>, vector<16xi32>,
    %get3A_166 = vector.shape_cast %get3A_165 : vector<16xi32> to vector<16xi32>
    %get3A_167 = arith.constant 176 : index
    %get3A_168 = tpu.vector_load %arg6[%get3A_167] {strides = array<i32>} : memref<256xf32, #tpu.memory_space<vmem>>, vector<16xf32>,
    %get3A_169 = vector.shape_cast %get3A_168 : vector<16xf32> to vector<16xf32>
    %eq3A_170 = vector.broadcast %add3A_4 : i32 to vector<16xi32>
    %eq3A_171 = arith.cmpi eq, %get3A_166, %eq3A_170 : vector<16xi32>
    %broadcast_in_dim3A_172 = arith.constant 0.000000e+00 : f32
    %broadcast_in_dim3A_173 = vector.broadcast %broadcast_in_dim3A_172 : f32 to vector<16xf32>
    %select_n3A_174 = arith.select %eq3A_171, %get3A_169, %broadcast_in_dim3A_173 : vector<16xi1>, vector<16xf32>
    %add3A_175 = arith.addf %add3A_163, %select_n3A_174 : vector<16xf32>
    %get3A_176 = arith.constant 208 : index
    %get3A_177 = tpu.vector_load %arg5[%get3A_176] {strides = array<i32>} : memref<256xi32, #tpu.memory_space<vmem>>, vector<16xi32>,
    %get3A_178 = vector.shape_cast %get3A_177 : vector<16xi32> to vector<16xi32>
    %get3A_179 = arith.constant 208 : index
    %get3A_180 = tpu.vector_load %arg6[%get3A_179] {strides = array<i32>} : memref<256xf32, #tpu.memory_space<vmem>>, vector<16xf32>,
    %get3A_181 = vector.shape_cast %get3A_180 : vector<16xf32> to vector<16xf32>
    %eq3A_182 = vector.broadcast %add3A_4 : i32 to vector<16xi32>
    %eq3A_183 = arith.cmpi eq, %get3A_178, %eq3A_182 : vector<16xi32>
    %broadcast_in_dim3A_184 = arith.constant 0.000000e+00 : f32
    %broadcast_in_dim3A_185 = vector.broadcast %broadcast_in_dim3A_184 : f32 to vector<16xf32>
    %select_n3A_186 = arith.select %eq3A_183, %get3A_181, %broadcast_in_dim3A_185 : vector<16xi1>, vector<16xf32>
    %add3A_187 = arith.addf %add3A_175, %select_n3A_186 : vector<16xf32>
    %get3A_188 = arith.constant 240 : index
    %get3A_189 = tpu.vector_load %arg5[%get3A_188] {strides = array<i32>} : memref<256xi32, #tpu.memory_space<vmem>>, vector<16xi32>,
    %get3A_190 = vector.shape_cast %get3A_189 : vector<16xi32> to vector<16xi32>
    %get3A_191 = arith.constant 240 : index
    %get3A_192 = tpu.vector_load %arg6[%get3A_191] {strides = array<i32>} : memref<256xf32, #tpu.memory_space<vmem>>, vector<16xf32>,
    %get3A_193 = vector.shape_cast %get3A_192 : vector<16xf32> to vector<16xf32>
    %eq3A_194 = vector.broadcast %add3A_4 : i32 to vector<16xi32>
    %eq3A_195 = arith.cmpi eq, %get3A_190, %eq3A_194 : vector<16xi32>
    %broadcast_in_dim3A_196 = arith.constant 0.000000e+00 : f32
    %broadcast_in_dim3A_197 = vector.broadcast %broadcast_in_dim3A_196 : f32 to vector<16xf32>
    %select_n3A_198 = arith.select %eq3A_195, %get3A_193, %broadcast_in_dim3A_197 : vector<16xi1>, vector<16xf32>
    %add3A_199 = arith.addf %add3A_187, %select_n3A_198 : vector<16xf32>
    %swap3A_200 = arith.constant 16 : index
    %swap3A_201 = tpu.vector_load %arg7[%swap3A_200] {strides = array<i32>} : memref<64xf32, #tpu.memory_space<vmem>>, vector<16xf32>,
    %swap3A_202 = vector.shape_cast %swap3A_201 : vector<16xf32> to vector<16xf32>
    %swap3A_203 = vector.shape_cast %add3A_199 : vector<16xf32> to vector<16xf32>
    tpu.vector_store %arg7[%swap3A_200], %swap3A_203 {strides = array<i32>} : memref<64xf32, #tpu.memory_space<vmem>>, vector<16xf32>,
    %mul3A_204 = arith.constant 2 : i32
    %mul3A_205 = arith.muli %add3A, %mul3A_204 : i32
    %add3A_206 = arith.constant 1 : i32
    %add3A_207 = arith.addi %mul3A_205, %add3A_206 : i32
    %broadcast_in_dim3A_208 = arith.constant 0.000000e+00 : f32
    %broadcast_in_dim3A_209 = vector.broadcast %broadcast_in_dim3A_208 : f32 to vector<16xf32>
    %get3A_210 = arith.constant 0 : index
    %get3A_211 = tpu.vector_load %arg5[%get3A_210] {strides = array<i32>} : memref<256xi32, #tpu.memory_space<vmem>>, vector<16xi32>,
    %get3A_212 = vector.shape_cast %get3A_211 : vector<16xi32> to vector<16xi32>
    %get3A_213 = arith.constant 0 : index
    %get3A_214 = tpu.vector_load %arg6[%get3A_213] {strides = array<i32>} : memref<256xf32, #tpu.memory_space<vmem>>, vector<16xf32>,
    %get3A_215 = vector.shape_cast %get3A_214 : vector<16xf32> to vector<16xf32>
    %eq3A_216 = vector.broadcast %add3A_207 : i32 to vector<16xi32>
    %eq3A_217 = arith.cmpi eq, %get3A_212, %eq3A_216 : vector<16xi32>
    %broadcast_in_dim3A_218 = arith.constant 0.000000e+00 : f32
    %broadcast_in_dim3A_219 = vector.broadcast %broadcast_in_dim3A_218 : f32 to vector<16xf32>
    %select_n3A_220 = arith.select %eq3A_217, %get3A_215, %broadcast_in_dim3A_219 : vector<16xi1>, vector<16xf32>
    %add3A_221 = arith.addf %broadcast_in_dim3A_209, %select_n3A_220 : vector<16xf32>
    %get3A_222 = arith.constant 32 : index
    %get3A_223 = tpu.vector_load %arg5[%get3A_222] {strides = array<i32>} : memref<256xi32, #tpu.memory_space<vmem>>, vector<16xi32>,
    %get3A_224 = vector.shape_cast %get3A_223 : vector<16xi32> to vector<16xi32>
    %get3A_225 = arith.constant 32 : index
    %get3A_226 = tpu.vector_load %arg6[%get3A_225] {strides = array<i32>} : memref<256xf32, #tpu.memory_space<vmem>>, vector<16xf32>,
    %get3A_227 = vector.shape_cast %get3A_226 : vector<16xf32> to vector<16xf32>
    %eq3A_228 = vector.broadcast %add3A_207 : i32 to vector<16xi32>
    %eq3A_229 = arith.cmpi eq, %get3A_224, %eq3A_228 : vector<16xi32>
    %broadcast_in_dim3A_230 = arith.constant 0.000000e+00 : f32
    %broadcast_in_dim3A_231 = vector.broadcast %broadcast_in_dim3A_230 : f32 to vector<16xf32>
    %select_n3A_232 = arith.select %eq3A_229, %get3A_227, %broadcast_in_dim3A_231 : vector<16xi1>, vector<16xf32>
    %add3A_233 = arith.addf %add3A_221, %select_n3A_232 : vector<16xf32>
    %get3A_234 = arith.constant 64 : index
    %get3A_235 = tpu.vector_load %arg5[%get3A_234] {strides = array<i32>} : memref<256xi32, #tpu.memory_space<vmem>>, vector<16xi32>,
    %get3A_236 = vector.shape_cast %get3A_235 : vector<16xi32> to vector<16xi32>
    %get3A_237 = arith.constant 64 : index
    %get3A_238 = tpu.vector_load %arg6[%get3A_237] {strides = array<i32>} : memref<256xf32, #tpu.memory_space<vmem>>, vector<16xf32>,
    %get3A_239 = vector.shape_cast %get3A_238 : vector<16xf32> to vector<16xf32>
    %eq3A_240 = vector.broadcast %add3A_207 : i32 to vector<16xi32>
    %eq3A_241 = arith.cmpi eq, %get3A_236, %eq3A_240 : vector<16xi32>
    %broadcast_in_dim3A_242 = arith.constant 0.000000e+00 : f32
    %broadcast_in_dim3A_243 = vector.broadcast %broadcast_in_dim3A_242 : f32 to vector<16xf32>
    %select_n3A_244 = arith.select %eq3A_241, %get3A_239, %broadcast_in_dim3A_243 : vector<16xi1>, vector<16xf32>
    %add3A_245 = arith.addf %add3A_233, %select_n3A_244 : vector<16xf32>
    %get3A_246 = arith.constant 96 : index
    %get3A_247 = tpu.vector_load %arg5[%get3A_246] {strides = array<i32>} : memref<256xi32, #tpu.memory_space<vmem>>, vector<16xi32>,
    %get3A_248 = vector.shape_cast %get3A_247 : vector<16xi32> to vector<16xi32>
    %get3A_249 = arith.constant 96 : index
    %get3A_250 = tpu.vector_load %arg6[%get3A_249] {strides = array<i32>} : memref<256xf32, #tpu.memory_space<vmem>>, vector<16xf32>,
    %get3A_251 = vector.shape_cast %get3A_250 : vector<16xf32> to vector<16xf32>
    %eq3A_252 = vector.broadcast %add3A_207 : i32 to vector<16xi32>
    %eq3A_253 = arith.cmpi eq, %get3A_248, %eq3A_252 : vector<16xi32>
    %broadcast_in_dim3A_254 = arith.constant 0.000000e+00 : f32
    %broadcast_in_dim3A_255 = vector.broadcast %broadcast_in_dim3A_254 : f32 to vector<16xf32>
    %select_n3A_256 = arith.select %eq3A_253, %get3A_251, %broadcast_in_dim3A_255 : vector<16xi1>, vector<16xf32>
    %add3A_257 = arith.addf %add3A_245, %select_n3A_256 : vector<16xf32>
    %get3A_258 = arith.constant 128 : index
    %get3A_259 = tpu.vector_load %arg5[%get3A_258] {strides = array<i32>} : memref<256xi32, #tpu.memory_space<vmem>>, vector<16xi32>,
    %get3A_260 = vector.shape_cast %get3A_259 : vector<16xi32> to vector<16xi32>
    %get3A_261 = arith.constant 128 : index
    %get3A_262 = tpu.vector_load %arg6[%get3A_261] {strides = array<i32>} : memref<256xf32, #tpu.memory_space<vmem>>, vector<16xf32>,
    %get3A_263 = vector.shape_cast %get3A_262 : vector<16xf32> to vector<16xf32>
    %eq3A_264 = vector.broadcast %add3A_207 : i32 to vector<16xi32>
    %eq3A_265 = arith.cmpi eq, %get3A_260, %eq3A_264 : vector<16xi32>
    %broadcast_in_dim3A_266 = arith.constant 0.000000e+00 : f32
    %broadcast_in_dim3A_267 = vector.broadcast %broadcast_in_dim3A_266 : f32 to vector<16xf32>
    %select_n3A_268 = arith.select %eq3A_265, %get3A_263, %broadcast_in_dim3A_267 : vector<16xi1>, vector<16xf32>
    %add3A_269 = arith.addf %add3A_257, %select_n3A_268 : vector<16xf32>
    %get3A_270 = arith.constant 160 : index
    %get3A_271 = tpu.vector_load %arg5[%get3A_270] {strides = array<i32>} : memref<256xi32, #tpu.memory_space<vmem>>, vector<16xi32>,
    %get3A_272 = vector.shape_cast %get3A_271 : vector<16xi32> to vector<16xi32>
    %get3A_273 = arith.constant 160 : index
    %get3A_274 = tpu.vector_load %arg6[%get3A_273] {strides = array<i32>} : memref<256xf32, #tpu.memory_space<vmem>>, vector<16xf32>,
    %get3A_275 = vector.shape_cast %get3A_274 : vector<16xf32> to vector<16xf32>
    %eq3A_276 = vector.broadcast %add3A_207 : i32 to vector<16xi32>
    %eq3A_277 = arith.cmpi eq, %get3A_272, %eq3A_276 : vector<16xi32>
    %broadcast_in_dim3A_278 = arith.constant 0.000000e+00 : f32
    %broadcast_in_dim3A_279 = vector.broadcast %broadcast_in_dim3A_278 : f32 to vector<16xf32>
    %select_n3A_280 = arith.select %eq3A_277, %get3A_275, %broadcast_in_dim3A_279 : vector<16xi1>, vector<16xf32>
    %add3A_281 = arith.addf %add3A_269, %select_n3A_280 : vector<16xf32>
    %get3A_282 = arith.constant 192 : index
    %get3A_283 = tpu.vector_load %arg5[%get3A_282] {strides = array<i32>} : memref<256xi32, #tpu.memory_space<vmem>>, vector<16xi32>,
    %get3A_284 = vector.shape_cast %get3A_283 : vector<16xi32> to vector<16xi32>
    %get3A_285 = arith.constant 192 : index
    %get3A_286 = tpu.vector_load %arg6[%get3A_285] {strides = array<i32>} : memref<256xf32, #tpu.memory_space<vmem>>, vector<16xf32>,
    %get3A_287 = vector.shape_cast %get3A_286 : vector<16xf32> to vector<16xf32>
    %eq3A_288 = vector.broadcast %add3A_207 : i32 to vector<16xi32>
    %eq3A_289 = arith.cmpi eq, %get3A_284, %eq3A_288 : vector<16xi32>
    %broadcast_in_dim3A_290 = arith.constant 0.000000e+00 : f32
    %broadcast_in_dim3A_291 = vector.broadcast %broadcast_in_dim3A_290 : f32 to vector<16xf32>
    %select_n3A_292 = arith.select %eq3A_289, %get3A_287, %broadcast_in_dim3A_291 : vector<16xi1>, vector<16xf32>
    %add3A_293 = arith.addf %add3A_281, %select_n3A_292 : vector<16xf32>
    %get3A_294 = arith.constant 224 : index
    %get3A_295 = tpu.vector_load %arg5[%get3A_294] {strides = array<i32>} : memref<256xi32, #tpu.memory_space<vmem>>, vector<16xi32>,
    %get3A_296 = vector.shape_cast %get3A_295 : vector<16xi32> to vector<16xi32>
    %get3A_297 = arith.constant 224 : index
    %get3A_298 = tpu.vector_load %arg6[%get3A_297] {strides = array<i32>} : memref<256xf32, #tpu.memory_space<vmem>>, vector<16xf32>,
    %get3A_299 = vector.shape_cast %get3A_298 : vector<16xf32> to vector<16xf32>
    %eq3A_300 = vector.broadcast %add3A_207 : i32 to vector<16xi32>
    %eq3A_301 = arith.cmpi eq, %get3A_296, %eq3A_300 : vector<16xi32>
    %broadcast_in_dim3A_302 = arith.constant 0.000000e+00 : f32
    %broadcast_in_dim3A_303 = vector.broadcast %broadcast_in_dim3A_302 : f32 to vector<16xf32>
    %select_n3A_304 = arith.select %eq3A_301, %get3A_299, %broadcast_in_dim3A_303 : vector<16xi1>, vector<16xf32>
    %add3A_305 = arith.addf %add3A_293, %select_n3A_304 : vector<16xf32>
    %swap3A_306 = arith.constant 32 : index
    %swap3A_307 = tpu.vector_load %arg7[%swap3A_306] {strides = array<i32>} : memref<64xf32, #tpu.memory_space<vmem>>, vector<16xf32>,
    %swap3A_308 = vector.shape_cast %swap3A_307 : vector<16xf32> to vector<16xf32>
    %swap3A_309 = vector.shape_cast %add3A_305 : vector<16xf32> to vector<16xf32>
    tpu.vector_store %arg7[%swap3A_306], %swap3A_309 {strides = array<i32>} : memref<64xf32, #tpu.memory_space<vmem>>, vector<16xf32>,
    %broadcast_in_dim3A_310 = arith.constant 0.000000e+00 : f32
    %broadcast_in_dim3A_311 = vector.broadcast %broadcast_in_dim3A_310 : f32 to vector<16xf32>
    %get3A_312 = arith.constant 16 : index
    %get3A_313 = tpu.vector_load %arg5[%get3A_312] {strides = array<i32>} : memref<256xi32, #tpu.memory_space<vmem>>, vector<16xi32>,
    %get3A_314 = vector.shape_cast %get3A_313 : vector<16xi32> to vector<16xi32>
    %get3A_315 = arith.constant 16 : index
    %get3A_316 = tpu.vector_load %arg6[%get3A_315] {strides = array<i32>} : memref<256xf32, #tpu.memory_space<vmem>>, vector<16xf32>,
    %get3A_317 = vector.shape_cast %get3A_316 : vector<16xf32> to vector<16xf32>
    %eq3A_318 = vector.broadcast %add3A_207 : i32 to vector<16xi32>
    %eq3A_319 = arith.cmpi eq, %get3A_314, %eq3A_318 : vector<16xi32>
    %broadcast_in_dim3A_320 = arith.constant 0.000000e+00 : f32
    %broadcast_in_dim3A_321 = vector.broadcast %broadcast_in_dim3A_320 : f32 to vector<16xf32>
    %select_n3A_322 = arith.select %eq3A_319, %get3A_317, %broadcast_in_dim3A_321 : vector<16xi1>, vector<16xf32>
    %add3A_323 = arith.addf %broadcast_in_dim3A_311, %select_n3A_322 : vector<16xf32>
    %get3A_324 = arith.constant 48 : index
    %get3A_325 = tpu.vector_load %arg5[%get3A_324] {strides = array<i32>} : memref<256xi32, #tpu.memory_space<vmem>>, vector<16xi32>,
    %get3A_326 = vector.shape_cast %get3A_325 : vector<16xi32> to vector<16xi32>
    %get3A_327 = arith.constant 48 : index
    %get3A_328 = tpu.vector_load %arg6[%get3A_327] {strides = array<i32>} : memref<256xf32, #tpu.memory_space<vmem>>, vector<16xf32>,
    %get3A_329 = vector.shape_cast %get3A_328 : vector<16xf32> to vector<16xf32>
    %eq3A_330 = vector.broadcast %add3A_207 : i32 to vector<16xi32>
    %eq3A_331 = arith.cmpi eq, %get3A_326, %eq3A_330 : vector<16xi32>
    %broadcast_in_dim3A_332 = arith.constant 0.000000e+00 : f32
    %broadcast_in_dim3A_333 = vector.broadcast %broadcast_in_dim3A_332 : f32 to vector<16xf32>
    %select_n3A_334 = arith.select %eq3A_331, %get3A_329, %broadcast_in_dim3A_333 : vector<16xi1>, vector<16xf32>
    %add3A_335 = arith.addf %add3A_323, %select_n3A_334 : vector<16xf32>
    %get3A_336 = arith.constant 80 : index
    %get3A_337 = tpu.vector_load %arg5[%get3A_336] {strides = array<i32>} : memref<256xi32, #tpu.memory_space<vmem>>, vector<16xi32>,
    %get3A_338 = vector.shape_cast %get3A_337 : vector<16xi32> to vector<16xi32>
    %get3A_339 = arith.constant 80 : index
    %get3A_340 = tpu.vector_load %arg6[%get3A_339] {strides = array<i32>} : memref<256xf32, #tpu.memory_space<vmem>>, vector<16xf32>,
    %get3A_341 = vector.shape_cast %get3A_340 : vector<16xf32> to vector<16xf32>
    %eq3A_342 = vector.broadcast %add3A_207 : i32 to vector<16xi32>
    %eq3A_343 = arith.cmpi eq, %get3A_338, %eq3A_342 : vector<16xi32>
    %broadcast_in_dim3A_344 = arith.constant 0.000000e+00 : f32
    %broadcast_in_dim3A_345 = vector.broadcast %broadcast_in_dim3A_344 : f32 to vector<16xf32>
    %select_n3A_346 = arith.select %eq3A_343, %get3A_341, %broadcast_in_dim3A_345 : vector<16xi1>, vector<16xf32>
    %add3A_347 = arith.addf %add3A_335, %select_n3A_346 : vector<16xf32>
    %get3A_348 = arith.constant 112 : index
    %get3A_349 = tpu.vector_load %arg5[%get3A_348] {strides = array<i32>} : memref<256xi32, #tpu.memory_space<vmem>>, vector<16xi32>,
    %get3A_350 = vector.shape_cast %get3A_349 : vector<16xi32> to vector<16xi32>
    %get3A_351 = arith.constant 112 : index
    %get3A_352 = tpu.vector_load %arg6[%get3A_351] {strides = array<i32>} : memref<256xf32, #tpu.memory_space<vmem>>, vector<16xf32>,
    %get3A_353 = vector.shape_cast %get3A_352 : vector<16xf32> to vector<16xf32>
    %eq3A_354 = vector.broadcast %add3A_207 : i32 to vector<16xi32>
    %eq3A_355 = arith.cmpi eq, %get3A_350, %eq3A_354 : vector<16xi32>
    %broadcast_in_dim3A_356 = arith.constant 0.000000e+00 : f32
    %broadcast_in_dim3A_357 = vector.broadcast %broadcast_in_dim3A_356 : f32 to vector<16xf32>
    %select_n3A_358 = arith.select %eq3A_355, %get3A_353, %broadcast_in_dim3A_357 : vector<16xi1>, vector<16xf32>
    %add3A_359 = arith.addf %add3A_347, %select_n3A_358 : vector<16xf32>
    %get3A_360 = arith.constant 144 : index
    %get3A_361 = tpu.vector_load %arg5[%get3A_360] {strides = array<i32>} : memref<256xi32, #tpu.memory_space<vmem>>, vector<16xi32>,
    %get3A_362 = vector.shape_cast %get3A_361 : vector<16xi32> to vector<16xi32>
    %get3A_363 = arith.constant 144 : index
    %get3A_364 = tpu.vector_load %arg6[%get3A_363] {strides = array<i32>} : memref<256xf32, #tpu.memory_space<vmem>>, vector<16xf32>,
    %get3A_365 = vector.shape_cast %get3A_364 : vector<16xf32> to vector<16xf32>
    %eq3A_366 = vector.broadcast %add3A_207 : i32 to vector<16xi32>
    %eq3A_367 = arith.cmpi eq, %get3A_362, %eq3A_366 : vector<16xi32>
    %broadcast_in_dim3A_368 = arith.constant 0.000000e+00 : f32
    %broadcast_in_dim3A_369 = vector.broadcast %broadcast_in_dim3A_368 : f32 to vector<16xf32>
    %select_n3A_370 = arith.select %eq3A_367, %get3A_365, %broadcast_in_dim3A_369 : vector<16xi1>, vector<16xf32>
    %add3A_371 = arith.addf %add3A_359, %select_n3A_370 : vector<16xf32>
    %get3A_372 = arith.constant 176 : index
    %get3A_373 = tpu.vector_load %arg5[%get3A_372] {strides = array<i32>} : memref<256xi32, #tpu.memory_space<vmem>>, vector<16xi32>,
    %get3A_374 = vector.shape_cast %get3A_373 : vector<16xi32> to vector<16xi32>
    %get3A_375 = arith.constant 176 : index
    %get3A_376 = tpu.vector_load %arg6[%get3A_375] {strides = array<i32>} : memref<256xf32, #tpu.memory_space<vmem>>, vector<16xf32>,
    %get3A_377 = vector.shape_cast %get3A_376 : vector<16xf32> to vector<16xf32>
    %eq3A_378 = vector.broadcast %add3A_207 : i32 to vector<16xi32>
    %eq3A_379 = arith.cmpi eq, %get3A_374, %eq3A_378 : vector<16xi32>
    %broadcast_in_dim3A_380 = arith.constant 0.000000e+00 : f32
    %broadcast_in_dim3A_381 = vector.broadcast %broadcast_in_dim3A_380 : f32 to vector<16xf32>
    %select_n3A_382 = arith.select %eq3A_379, %get3A_377, %broadcast_in_dim3A_381 : vector<16xi1>, vector<16xf32>
    %add3A_383 = arith.addf %add3A_371, %select_n3A_382 : vector<16xf32>
    %get3A_384 = arith.constant 208 : index
    %get3A_385 = tpu.vector_load %arg5[%get3A_384] {strides = array<i32>} : memref<256xi32, #tpu.memory_space<vmem>>, vector<16xi32>,
    %get3A_386 = vector.shape_cast %get3A_385 : vector<16xi32> to vector<16xi32>
    %get3A_387 = arith.constant 208 : index
    %get3A_388 = tpu.vector_load %arg6[%get3A_387] {strides = array<i32>} : memref<256xf32, #tpu.memory_space<vmem>>, vector<16xf32>,
    %get3A_389 = vector.shape_cast %get3A_388 : vector<16xf32> to vector<16xf32>
    %eq3A_390 = vector.broadcast %add3A_207 : i32 to vector<16xi32>
    %eq3A_391 = arith.cmpi eq, %get3A_386, %eq3A_390 : vector<16xi32>
    %broadcast_in_dim3A_392 = arith.constant 0.000000e+00 : f32
    %broadcast_in_dim3A_393 = vector.broadcast %broadcast_in_dim3A_392 : f32 to vector<16xf32>
    %select_n3A_394 = arith.select %eq3A_391, %get3A_389, %broadcast_in_dim3A_393 : vector<16xi1>, vector<16xf32>
    %add3A_395 = arith.addf %add3A_383, %select_n3A_394 : vector<16xf32>
    %get3A_396 = arith.constant 240 : index
    %get3A_397 = tpu.vector_load %arg5[%get3A_396] {strides = array<i32>} : memref<256xi32, #tpu.memory_space<vmem>>, vector<16xi32>,
    %get3A_398 = vector.shape_cast %get3A_397 : vector<16xi32> to vector<16xi32>
    %get3A_399 = arith.constant 240 : index
    %get3A_400 = tpu.vector_load %arg6[%get3A_399] {strides = array<i32>} : memref<256xf32, #tpu.memory_space<vmem>>, vector<16xf32>,
    %get3A_401 = vector.shape_cast %get3A_400 : vector<16xf32> to vector<16xf32>
    %eq3A_402 = vector.broadcast %add3A_207 : i32 to vector<16xi32>
    %eq3A_403 = arith.cmpi eq, %get3A_398, %eq3A_402 : vector<16xi32>
    %broadcast_in_dim3A_404 = arith.constant 0.000000e+00 : f32
    %broadcast_in_dim3A_405 = vector.broadcast %broadcast_in_dim3A_404 : f32 to vector<16xf32>
    %select_n3A_406 = arith.select %eq3A_403, %get3A_401, %broadcast_in_dim3A_405 : vector<16xi1>, vector<16xf32>
    %add3A_407 = arith.addf %add3A_395, %select_n3A_406 : vector<16xf32>
    %swap3A_408 = arith.constant 48 : index
    %swap3A_409 = tpu.vector_load %arg7[%swap3A_408] {strides = array<i32>} : memref<64xf32, #tpu.memory_space<vmem>>, vector<16xf32>,
    %swap3A_410 = vector.shape_cast %swap3A_409 : vector<16xf32> to vector<16xf32>
    %swap3A_411 = vector.shape_cast %add3A_407 : vector<16xf32> to vector<16xf32>
    tpu.vector_store %arg7[%swap3A_408], %swap3A_411 {strides = array<i32>} : memref<64xf32, #tpu.memory_space<vmem>>, vector<16xf32>,
    %mul3A_412 = arith.constant 2 : i32
    %mul3A_413 = arith.muli %add3A, %mul3A_412 : i32
    %mul3A_414 = arith.constant 32 : i32
    %mul3A_415 = arith.muli %mul3A_413, %mul3A_414 : i32
    "tpu.region"() ({
      %run_scoped3A = tpu.sem_alloc : memref<!tpu.dma_semaphore, #tpu.memory_space<semaphore_mem>>
      %dma_start3A = tpu.memref_slice %arg4[%mul3A_415] : memref<2048xf32, #tpu.memory_space<hbm>> -> memref<64xf32, #tpu.memory_space<hbm>>
      %dma_start3A_416 = tpu.memref_slice %arg4[%mul3A_415] : memref<2048xf32, #tpu.memory_space<hbm>> -> memref<64xf32, #tpu.memory_space<hbm>>
      tpu.enqueue_dma source(%arg7 : memref<64xf32, #tpu.memory_space<vmem>>) target(%dma_start3A_416 : memref<64xf32, #tpu.memory_space<hbm>>) target_semaphore(%run_scoped3A : memref<!tpu.dma_semaphore, #tpu.memory_space<semaphore_mem>>)
      %dma_wait3A = tpu.memref_slice %arg4[%mul3A_415] : memref<2048xf32, #tpu.memory_space<hbm>> -> memref<64xf32, #tpu.memory_space<hbm>>
      %dma_wait3A_417 = tpu.memref_slice %arg4[%mul3A_415] : memref<2048xf32, #tpu.memory_space<hbm>> -> memref<64xf32, #tpu.memory_space<hbm>>
      tpu.wait_dma2 semaphore(%run_scoped3A : memref<!tpu.dma_semaphore, #tpu.memory_space<semaphore_mem>>) src(%arg7 : memref<64xf32, #tpu.memory_space<vmem>>) dst(%dma_wait3A_417 : memref<64xf32, #tpu.memory_space<hbm>>)
      tpu.yield
    }) : () -> ()
    return
  }
}

module attributes {stable_mosaic.version = 14 : i64} {
  func.func @_moe_kernel(%arg0: i32, %arg1: memref<1x2x32xf32, #tpu.memory_space<vmem>>, %arg2: memref<32x1024xf32, #tpu.memory_space<vmem>>, %arg3: memref<2x512x1024xf32, #tpu.memory_space<vmem>>, %arg4: memref<2x512x1024xf32, #tpu.memory_space<vmem>>, %arg5: memref<2x1024x512xf32, #tpu.memory_space<vmem>>, %arg6: memref<32x1024xf32, #tpu.memory_space<vmem>>) attributes {dimension_semantics = [#tpu.dimension_semantics<arbitrary>], iteration_bounds = array<i64: 32>, scalar_prefetch = 0 : i64, scratch_operands = 0 : i64, tpu.core_type = #tpu.core_type<tc>, window_params = [{transform_indices = @transform_0, window_bounds = array<i64: 1, 2, 32>}, {pipeline_mode = #tpu.pipeline_mode<synchronous>, transform_indices = @transform_1, window_bounds = array<i64: 32, 1024>}, {transform_indices = @transform_2, window_bounds = array<i64: 2, 512, 1024>}, {transform_indices = @transform_3, window_bounds = array<i64: 2, 512, 1024>}, {transform_indices = @transform_4, window_bounds = array<i64: 2, 1024, 512>}, {pipeline_mode = #tpu.pipeline_mode<synchronous>, transform_indices = @transform_5, window_bounds = array<i64: 32, 1024>}]} {
    %eq3A = arith.constant 0 : i32
    %eq3A_0 = arith.cmpi eq, %arg0, %eq3A : i32
    %convert_element_type3A = arith.extui %eq3A_0 : i1 to i32
    %cond3A = arith.constant 0 : i32
    %cond3A_1 = arith.cmpi ne, %convert_element_type3A, %cond3A : i32
    scf.if %cond3A_1 {
      %broadcast_in_dim3A_83 = arith.constant 0.000000e+00 : f32
      %broadcast_in_dim3A_84 = vector.broadcast %broadcast_in_dim3A_83 : f32 to vector<32x1024xf32>
      %swap3A_85 = arith.constant 0 : index
      %swap3A_86 = arith.constant 0 : index
      %swap3A_87 = vector.load %arg6[%swap3A_85, %swap3A_86] : memref<32x1024xf32, #tpu.memory_space<vmem>>, vector<32x1024xf32>
      tpu.vector_store %arg6[%swap3A_85, %swap3A_86], %broadcast_in_dim3A_84 {strides = array<i32>} : memref<32x1024xf32, #tpu.memory_space<vmem>>, vector<32x1024xf32>,
    } else {
    }
    %get3A = arith.constant 0 : index
    %get3A_2 = arith.constant 0 : index
    %get3A_3 = vector.load %arg2[%get3A, %get3A_2] : memref<32x1024xf32, #tpu.memory_space<vmem>>, vector<32x1024xf32>
    %broadcast_in_dim3A = arith.constant 0.000000e+00 : f32
    %broadcast_in_dim3A_4 = vector.broadcast %broadcast_in_dim3A : f32 to vector<32x1024xf32>
    %get3A_5 = arith.constant 0 : index
    %get3A_6 = arith.constant 0 : index
    %get3A_7 = arith.constant 0 : index
    %get3A_8 = vector.load %arg1[%get3A_5, %get3A_6, %get3A_7] : memref<1x2x32xf32, #tpu.memory_space<vmem>>, vector<1x1x32xf32>
    %get3A_9 = vector.shape_cast %get3A_8 : vector<1x1x32xf32> to vector<32xf32>
    %get3A_10 = arith.constant 0 : index
    %get3A_11 = arith.constant 0 : index
    %get3A_12 = arith.constant 0 : index
    %get3A_13 = vector.load %arg3[%get3A_10, %get3A_11, %get3A_12] : memref<2x512x1024xf32, #tpu.memory_space<vmem>>, vector<1x512x1024xf32>
    %get3A_14 = vector.shape_cast %get3A_13 : vector<1x512x1024xf32> to vector<512x1024xf32>
    %dot_general3A = arith.constant dense<0.000000e+00> : vector<32x512xf32>
    %dot_general3A_15 = tpu.matmul %get3A_3, %get3A_14, %dot_general3A {dimension_numbers = #tpu.dot_dimension_numbers<[1], [1], [0], [0], [0, 0, 1, 0], [], []>, transpose_lhs_hint = false} : vector<32x1024xf32>, vector<512x1024xf32>, vector<32x512xf32> -> vector<32x512xf32>
    %get3A_16 = arith.constant 0 : index
    %get3A_17 = arith.constant 0 : index
    %get3A_18 = arith.constant 0 : index
    %get3A_19 = vector.load %arg4[%get3A_16, %get3A_17, %get3A_18] : memref<2x512x1024xf32, #tpu.memory_space<vmem>>, vector<1x512x1024xf32>
    %get3A_20 = vector.shape_cast %get3A_19 : vector<1x512x1024xf32> to vector<512x1024xf32>
    %dot_general3A_21 = arith.constant dense<0.000000e+00> : vector<32x512xf32>
    %dot_general3A_22 = tpu.matmul %get3A_3, %get3A_20, %dot_general3A_21 {dimension_numbers = #tpu.dot_dimension_numbers<[1], [1], [0], [0], [0, 0, 1, 0], [], []>, transpose_lhs_hint = false} : vector<32x1024xf32>, vector<512x1024xf32>, vector<32x512xf32> -> vector<32x512xf32>
    %logistic3A = arith.negf %dot_general3A_15 : vector<32x512xf32>
    %logistic3A_23 = math.exp %logistic3A : vector<32x512xf32>
    %logistic3A_24 = arith.constant 1.000000e+00 : f32
    %logistic3A_25 = vector.broadcast %logistic3A_24 : f32 to vector<32x512xf32>
    %logistic3A_26 = arith.addf %logistic3A_25, %logistic3A_23 : vector<32x512xf32>
    %logistic3A_27 = arith.divf %logistic3A_25, %logistic3A_26 : vector<32x512xf32>
    %mul3A = arith.mulf %dot_general3A_15, %logistic3A_27 : vector<32x512xf32>
    %mul3A_28 = arith.mulf %mul3A, %dot_general3A_22 : vector<32x512xf32>
    %get3A_29 = arith.constant 0 : index
    %get3A_30 = arith.constant 0 : index
    %get3A_31 = arith.constant 0 : index
    %get3A_32 = vector.load %arg5[%get3A_29, %get3A_30, %get3A_31] : memref<2x1024x512xf32, #tpu.memory_space<vmem>>, vector<1x1024x512xf32>
    %get3A_33 = vector.shape_cast %get3A_32 : vector<1x1024x512xf32> to vector<1024x512xf32>
    %dot_general3A_34 = arith.constant dense<0.000000e+00> : vector<32x1024xf32>
    %dot_general3A_35 = tpu.matmul %mul3A_28, %get3A_33, %dot_general3A_34 {dimension_numbers = #tpu.dot_dimension_numbers<[1], [1], [0], [0], [0, 0, 1, 0], [], []>, transpose_lhs_hint = false} : vector<32x512xf32>, vector<1024x512xf32>, vector<32x1024xf32> -> vector<32x1024xf32>
    %broadcast_in_dim3A_36 = vector.shape_cast %get3A_9 : vector<32xf32> to vector<32x1xf32>
    %mul3A_37 = vector.broadcast %broadcast_in_dim3A_36 : vector<32x1xf32> to vector<32x1024xf32>
    %mul3A_38 = arith.mulf %dot_general3A_35, %mul3A_37 : vector<32x1024xf32>
    %add3A = arith.addf %broadcast_in_dim3A_4, %mul3A_38 : vector<32x1024xf32>
    %get3A_39 = arith.constant 0 : index
    %get3A_40 = arith.constant 1 : index
    %get3A_41 = arith.constant 0 : index
    %get3A_42 = vector.load %arg1[%get3A_39, %get3A_40, %get3A_41] : memref<1x2x32xf32, #tpu.memory_space<vmem>>, vector<1x1x32xf32>
    %get3A_43 = vector.shape_cast %get3A_42 : vector<1x1x32xf32> to vector<32xf32>
    %get3A_44 = arith.constant 1 : index
    %get3A_45 = arith.constant 0 : index
    %get3A_46 = arith.constant 0 : index
    %get3A_47 = vector.load %arg3[%get3A_44, %get3A_45, %get3A_46] : memref<2x512x1024xf32, #tpu.memory_space<vmem>>, vector<1x512x1024xf32>
    %get3A_48 = vector.shape_cast %get3A_47 : vector<1x512x1024xf32> to vector<512x1024xf32>
    %dot_general3A_49 = arith.constant dense<0.000000e+00> : vector<32x512xf32>
    %dot_general3A_50 = tpu.matmul %get3A_3, %get3A_48, %dot_general3A_49 {dimension_numbers = #tpu.dot_dimension_numbers<[1], [1], [0], [0], [0, 0, 1, 0], [], []>, transpose_lhs_hint = false} : vector<32x1024xf32>, vector<512x1024xf32>, vector<32x512xf32> -> vector<32x512xf32>
    %get3A_51 = arith.constant 1 : index
    %get3A_52 = arith.constant 0 : index
    %get3A_53 = arith.constant 0 : index
    %get3A_54 = vector.load %arg4[%get3A_51, %get3A_52, %get3A_53] : memref<2x512x1024xf32, #tpu.memory_space<vmem>>, vector<1x512x1024xf32>
    %get3A_55 = vector.shape_cast %get3A_54 : vector<1x512x1024xf32> to vector<512x1024xf32>
    %dot_general3A_56 = arith.constant dense<0.000000e+00> : vector<32x512xf32>
    %dot_general3A_57 = tpu.matmul %get3A_3, %get3A_55, %dot_general3A_56 {dimension_numbers = #tpu.dot_dimension_numbers<[1], [1], [0], [0], [0, 0, 1, 0], [], []>, transpose_lhs_hint = false} : vector<32x1024xf32>, vector<512x1024xf32>, vector<32x512xf32> -> vector<32x512xf32>
    %logistic3A_58 = arith.negf %dot_general3A_50 : vector<32x512xf32>
    %logistic3A_59 = math.exp %logistic3A_58 : vector<32x512xf32>
    %logistic3A_60 = arith.constant 1.000000e+00 : f32
    %logistic3A_61 = vector.broadcast %logistic3A_60 : f32 to vector<32x512xf32>
    %logistic3A_62 = arith.addf %logistic3A_61, %logistic3A_59 : vector<32x512xf32>
    %logistic3A_63 = arith.divf %logistic3A_61, %logistic3A_62 : vector<32x512xf32>
    %mul3A_64 = arith.mulf %dot_general3A_50, %logistic3A_63 : vector<32x512xf32>
    %mul3A_65 = arith.mulf %mul3A_64, %dot_general3A_57 : vector<32x512xf32>
    %get3A_66 = arith.constant 1 : index
    %get3A_67 = arith.constant 0 : index
    %get3A_68 = arith.constant 0 : index
    %get3A_69 = vector.load %arg5[%get3A_66, %get3A_67, %get3A_68] : memref<2x1024x512xf32, #tpu.memory_space<vmem>>, vector<1x1024x512xf32>
    %get3A_70 = vector.shape_cast %get3A_69 : vector<1x1024x512xf32> to vector<1024x512xf32>
    %dot_general3A_71 = arith.constant dense<0.000000e+00> : vector<32x1024xf32>
    %dot_general3A_72 = tpu.matmul %mul3A_65, %get3A_70, %dot_general3A_71 {dimension_numbers = #tpu.dot_dimension_numbers<[1], [1], [0], [0], [0, 0, 1, 0], [], []>, transpose_lhs_hint = false} : vector<32x512xf32>, vector<1024x512xf32>, vector<32x1024xf32> -> vector<32x1024xf32>
    %broadcast_in_dim3A_73 = vector.shape_cast %get3A_43 : vector<32xf32> to vector<32x1xf32>
    %mul3A_74 = vector.broadcast %broadcast_in_dim3A_73 : vector<32x1xf32> to vector<32x1024xf32>
    %mul3A_75 = arith.mulf %dot_general3A_72, %mul3A_74 : vector<32x1024xf32>
    %add3A_76 = arith.addf %add3A, %mul3A_75 : vector<32x1024xf32>
    %get3A_77 = arith.constant 0 : index
    %get3A_78 = arith.constant 0 : index
    %get3A_79 = vector.load %arg6[%get3A_77, %get3A_78] : memref<32x1024xf32, #tpu.memory_space<vmem>>, vector<32x1024xf32>
    %add3A_80 = arith.addf %get3A_79, %add3A_76 : vector<32x1024xf32>
    %swap3A = arith.constant 0 : index
    %swap3A_81 = arith.constant 0 : index
    %swap3A_82 = vector.load %arg6[%swap3A, %swap3A_81] : memref<32x1024xf32, #tpu.memory_space<vmem>>, vector<32x1024xf32>
    tpu.vector_store %arg6[%swap3A, %swap3A_81], %add3A_80 {strides = array<i32>} : memref<32x1024xf32, #tpu.memory_space<vmem>>, vector<32x1024xf32>,
    return
  }
  func.func @transform_0(%arg0: i32) -> (i32, i32, i32) {
    %c0_i32 = arith.constant 0 : i32
    %c0_i32_0 = arith.constant 0 : i32
    %c0_i32_1 = arith.constant 0 : i32
    return %arg0, %c0_i32, %c0_i32_0 : i32, i32, i32
  }
  func.func @transform_1(%arg0: i32) -> (i32, i32) {
    %c0_i32 = arith.constant 0 : i32
    %c0_i32_0 = arith.constant 0 : i32
    %c0_i32_1 = arith.constant 0 : i32
    return %c0_i32, %c0_i32_0 : i32, i32
  }
  func.func @transform_2(%arg0: i32) -> (i32, i32, i32) {
    %c0_i32 = arith.constant 0 : i32
    %c0_i32_0 = arith.constant 0 : i32
    %c0_i32_1 = arith.constant 0 : i32
    return %arg0, %c0_i32, %c0_i32_0 : i32, i32, i32
  }
  func.func @transform_3(%arg0: i32) -> (i32, i32, i32) {
    %c0_i32 = arith.constant 0 : i32
    %c0_i32_0 = arith.constant 0 : i32
    %c0_i32_1 = arith.constant 0 : i32
    return %arg0, %c0_i32, %c0_i32_0 : i32, i32, i32
  }
  func.func @transform_4(%arg0: i32) -> (i32, i32, i32) {
    %c0_i32 = arith.constant 0 : i32
    %c0_i32_0 = arith.constant 0 : i32
    %c0_i32_1 = arith.constant 0 : i32
    return %arg0, %c0_i32, %c0_i32_0 : i32, i32, i32
  }
  func.func @transform_5(%arg0: i32) -> (i32, i32) {
    %c0_i32 = arith.constant 0 : i32
    %c0_i32_0 = arith.constant 0 : i32
    %c0_i32_1 = arith.constant 0 : i32
    return %c0_i32, %c0_i32_0 : i32, i32
  }
}

</mosaic_0001>

<sc_bundles>
// kernel: kernel.4.cloned.1.call-start
scs
__scs_entry_jumppad:
0x0: {  	(pc) =	sbr.rel $0x88, $3  }
0x1: {  	(tag) =	ssettag $0x0;
	lr =	simm.s32 $0x1  }
0x2: {  	[smem:$0x3F9B] =	sst lr;
	_ =	strace $0xD0000000  }
0x3: {  	_ = 	snop  }
0x4: {  	_ = 	snop  }
0x5: {  	_ = 	snop  }
0x6: {  	_ = 	snop  }
0x7: {  	_ = 	snop  }
__scs_overlays_trampoline_lowered:
0x8: {  	[smem:$0x3FAA] =	sst s0  }
0x9: {  	[smem:$0x3FAB] =	sst s1  }
0xa: {  	[smem:$0x3FAC] =	sst s2  }
0xb: {  	[smem:$0x3FAD] =	sst s3  }
0xc: {  	[smem:$0x3FAE] =	sst s4  }
0xd: {  	[smem:$0x3FAF] =	sst s5  }
0xe: {  	[smem:$0x3FB0] =	sst s6  }
0xf: {  	[smem:$0x3FB1] =	sst s7  }
0x10: {  	[smem:$0x3FB2] =	sst s8  }
0x11: {  	[smem:$0x3FB3] =	sst s9;
	s0 =	simm.s32 @!p0 $0x0  }
0x12: {  	s1 =	sld [smem:$0x3F99];
	s0 =	simm.s32 @p0 $0x1  }
0x13: {  	[smem:$0x3FB4] =	sst s0;
	s0 =	simm.s32 @!p1 $0x0  }
0x14: {  	s2 =	sld [smem:$0x3F98];
	s0 =	simm.s32 @p1 $0x1  }
0x15: {  	[smem:$0x3FB5] =	sst s0;
	s0 =	simm.s32 @!p2 $0x0  }
0x16: {  	s3 =	sld [smem:$0x3FDB];
	s0 =	simm.s32 @p2 $0x1  }
0x17: {  	s4 =	simm.s32 $0x1BF5;
	[smem:$0x3FB7] =	sst s0  }
0x18: {  	s0 =	sld [smem:$0x3F9A];
	_ =	swait.ge [sflag:s4], $0x0  }
0x19: {  	s7 =	sld [smem:$0x3F9B]  }
0x1a: {  	s8 =	sadd.s32 $0xFFFFE003, lr  }
0x1b: {  	s9 =	sadd.s32 $0xFFFFFEF7, lr;
	s5 =	simm.s32 $0xFFFFFFFF;
	p2 =	slt.u32 s8, $0xFFFFF086  }
0x1c: {  	p1 =	slt.u32 s9, $0xF7A;
	s5 =	simm.s32 @!p2 $0x0  }
0x1d: {  	s5 =	simm.s32 @p1 $0x1;
	p0 =	seq.s32 s7, s2  }
0x1e: {  	s7 =	smul.u32 @!p0 $0xF7A, s2;
	p2 =	seq.s32 @!p0 s5, $0x0  }
0x1f: {  	s9 =	smul.u32 $0xF7A, s1;
	s8 =	simm.s32 @!p0 $0x1BF5;
	p2 =	por !p2, p0  }
0x20: {  	[sflag:s8] =	ssyncset.s32 @!p0 $0xFFFFF086;
	s6 =	sadd.s32 @!p0 s3, s7;
	s7 =	simm.s32 @!p0 $0x108  }
0x21: {  	s3 =	sadd.s32 s3, s9;
	s6 =	sadd.s32 @!p0 $0x88, s6;
	s7 =	simm.s32 @p2 $0x1082  }
0x22: {  	[simem:s7], [sflag:s8] =	dma.local @!p0 [hbm:s6], $0xF7A  }
0x23: {  	s9 =	sor.u32 $0xD0000000, s2;
	s6 =	simm.s32 $0x108;
	_ =	swait.ge @!p0 [sflag:s8], $0x0  }
0x24: {  	s3 =	sadd.s32 $0x88, s3;
	s6 =	simm.s32 @!p1 $0x1082;
	[sflag:s4] =	ssyncset.s32 $0xFFFFF086  }
0x25: {  	[simem:s6], [sflag:s4] =	dma.local [hbm:s3], $0xF7A  }
0x26: {  	[smem:$0x3F9B] =	sst s1;
	(tag) =	ssettag s2;
	_ =	strace s9  }
0x27: {  	s1 =	sld [smem:$0x3FAB]  }
0x28: {  	s2 =	sld [smem:$0x3FAC]  }
0x29: {  	s4 =	sld [smem:$0x3FAE]  }
0x2a: {  	p0 =	seq.s32 s5, $0x0;
	s5 =	sld [smem:$0x3FAF]  }
0x2b: {  	s6 =	sld [smem:$0x3FB0]  }
0x2c: {  	s7 =	sld [smem:$0x3FB1]  }
0x2d: {  	s3 =	simm.s32 $0x108;
	s8 =	sld [smem:$0x3FB2]  }
0x2e: {  	s3 =	simm.s32 @!p0 $0x1082;
	s9 =	sld [smem:$0x3FB3]  }
0x2f: {  	lr =	sadd.s32 s0, s3;
	s0 =	sld [smem:$0x3FAA]  }
0x30: {  	s3 =	sld [smem:$0x3FAD]  }
0x31: {  	[smem:$0x3FB6] =	sst s10  }
0x32: {  	s10 =	sld [smem:$0x3FB4];
	_ =	sdelay $0x3  }
0x33: {  	p0 =	seq.s32 s10, $0x1;
	s10 =	sld [smem:$0x3FB6];
	_ =	sdelay $0x3  }
0x34: {  	[smem:$0x3FB6] =	sst s10  }
0x35: {  	s10 =	sld [smem:$0x3FB5];
	_ =	sdelay $0x3  }
0x36: {  	p1 =	seq.s32 s10, $0x1;
	s10 =	sld [smem:$0x3FB6];
	_ =	sdelay $0x3  }
0x37: {  	[smem:$0x3FB6] =	sst s10  }
0x38: {  	s10 =	sld [smem:$0x3FB7]  }
0x39: {  	_ = 	snop;
	(pc) =	sbr.ind lr, $3  }
0x3a: {  	_ = 	snop  }
0x3b: {  	_ = 	snop  }
0x3c: {  	p2 =	seq.s32 s10, $0x1;
	s10 =	sld [smem:$0x3FB6]  }
0x3d: {  	_ =	shalt  }
0x3e: {  	_ =	shalt  }
0x3f: {  	_ =	shalt  }
0x40: {  	_ =	shalt  }
0x41: {  	_ =	shalt  }
0x42: {  	_ =	shalt  }
0x43: {  	_ =	shalt  }
0x44: {  	_ =	shalt  }
0x45: {  	_ =	shalt  }
0x46: {  	_ =	shalt  }
0x47: {  	_ =	shalt  }
0x48: {  	_ =	shalt  }
0x49: {  	_ =	shalt  }
0x4a: {  	_ =	shalt  }
0x4b: {  	_ =	shalt  }
0x4c: {  	_ =	shalt  }
0x4d: {  	_ =	shalt  }
0x4e: {  	_ =	shalt  }
0x4f: {  	_ =	shalt  }
0x50: {  	_ =	shalt  }
0x51: {  	_ =	shalt  }
0x52: {  	_ =	shalt  }
0x53: {  	_ =	shalt  }
0x54: {  	_ =	shalt  }
0x55: {  	_ =	shalt  }
0x56: {  	_ =	shalt  }
0x57: {  	_ =	shalt  }
0x58: {  	_ =	shalt  }
0x59: {  	_ =	shalt  }
0x5a: {  	_ =	shalt  }
0x5b: {  	_ =	shalt  }
0x5c: {  	_ =	shalt  }
0x5d: {  	_ =	shalt  }
0x5e: {  	_ =	shalt  }
0x5f: {  	_ =	shalt  }
0x60: {  	_ =	shalt  }
0x61: {  	_ =	shalt  }
0x62: {  	_ =	shalt  }
0x63: {  	_ =	shalt  }
0x64: {  	_ =	shalt  }
0x65: {  	_ =	shalt  }
0x66: {  	_ =	shalt  }
0x67: {  	_ =	shalt  }
0x68: {  	_ =	shalt  }
0x69: {  	_ =	shalt  }
0x6a: {  	_ =	shalt  }
0x6b: {  	_ =	shalt  }
0x6c: {  	_ =	shalt  }
0x6d: {  	_ =	shalt  }
0x6e: {  	_ =	shalt  }
0x6f: {  	_ =	shalt  }
0x70: {  	_ =	shalt  }
0x71: {  	_ =	shalt  }
0x72: {  	_ =	shalt  }
0x73: {  	_ =	shalt  }
0x74: {  	_ =	shalt  }
0x75: {  	_ =	shalt  }
0x76: {  	_ =	shalt  }
0x77: {  	_ =	shalt  }
0x78: {  	_ =	shalt  }
0x79: {  	_ =	shalt  }
0x7a: {  	_ =	shalt  }
0x7b: {  	_ =	shalt  }
0x7c: {  	_ =	shalt  }
0x7d: {  	_ =	shalt  }
0x7e: {  	_ =	shalt  }
0x7f: {  	_ =	shalt  }
0x80: {  	_ =	shalt  }
0x81: {  	_ =	shalt  }
0x82: {  	_ =	shalt  }
0x83: {  	_ =	shalt  }
0x84: {  	_ =	shalt  }
0x85: {  	_ =	shalt  }
0x86: {  	_ =	shalt  }
0x87: {  	_ =	shalt  }
.Lfunc_end0:
.L_simem_size_0:
called_computation_lowered:
.L_overlay_start_0:
0x88: {  	s2 =	sld [smem:$0x3FD9]  }
0x89: {  	s3 =	sld [smem:$0x3FFE];
	_ =	sdelay $0x1  }
0x8a: {  	s1 =	srdreg.scid  }
0x8b: {  	s0 =	sand.u32 $0x1, s1  }
0x8c: {  	s17 =	sshll.u32 s0, $0xA;
	s2 =	sadd.s32 s3, s2  }
0x8d: {  	s2 =	sadd.s32 s2, s17  }
0x8e: {  	[smem:$0x3FC2] =	sst s2  }
0x8f: {  	_ = 	snop  }
0x90: {  	s2 =	sld [smem:$0x3FD0];
	(tm) =	ssettm $0x1  }
0x91: {  	s18 =	sld [smem:$0x3FFB];
	_ =	sdelay $0x3  }
0x92: {  	_ =	strace s18  }
0x93: {  	s3 =	sld [smem:$0x3FFC];
	_ =	sdelay $0x3  }
0x94: {  	_ =	strace s3  }
0x95: {  	s3 =	sld [smem:$0x3FFD];
	_ =	sdelay $0x3  }
0x96: {  	_ =	strace s3  }
0x97: {  	_ =	strace $0x8FFFFFFF  }
0x98: {  	s19 =	sld [smem:$0x3FDB];
	_ =	sdelay $0x1  }
0x99: {  	s4 =	simm.s32 $_scs_section_size  }
0x9a: {  	s5 =	simm.s32 $_size__tile_overlayer_lowered;
	s6 =	simm.s32 $_tile_overlayer_lowered  }
0x9b: {  	s22 =	simm.s32 $0x1BFF;
	s21 =	sshll.u32 s6, $0x1;
	s3 =	sadd.s32 s4, s19  }
0x9c: {  	s7 =	simm.s32 $0x0;
	s20 =	sshll.u32 s5, $0x1;
	s5 =	sadd.s32 s21, s3  }
0x9d: {  	[timem:s7], [sflag:s22] =	dma.local [hbm:s5], s20  }
0x9e: {  	_ =	swait.ge [sflag:s22], s20  }
0x9f: {  	s4 =	ssub.s32 $0x0, s20;
	[sflag:s22] =	ssyncset.done $0x0  }
0xa0: {  	[sflag:s22] =	ssyncadd.s32 s4;
	_ =	sdelay $0x1  }
0xa1: {  	s23 =	simm.s32 $0x1B8B  }
0xa2: {  	_ =	swait.ge [sflag:s23], $0x1  }
0xa3: {  	[sflag:s23] =	ssyncset.done $0x0  }
0xa4: {  	s25 =	simm.s32 $0x1B8E;
	s24 =	sld [smem:$0x3FFE];
	[sflag:s23] =	ssyncadd.s32 $0xFFFFFFFF  }
0xa5: {  	s26 =	simm.s32 $execute0_lowered;
	[smem:$0x3FD2] =	sst s25  }
0xa6: {  	s5 =	sshll.u32 s26, $0x1;
	_ =	strace $0x80000046;
	[dreg:$0x1] =	wrdreg $0xFFFFFFFF  }
0xa7: {  	s28 =	simm.s32 $_size_execute0_lowered;
	s3 =	sadd.s32 s3, s5;
	[dreg:$0x0] =	wrdreg $0x0  }
0xa8: {  	s5 =	sshll.u32 s28, $0x1;
	[dreg:$0x2] =	wrdreg s3  }
0xa9: {  	[dreg:$0x3] =	wrdreg s5  }
0xaa: {  	[dreg:$0x4] =	wrdreg $0xC0  }
0xab: {  	_ =	task [dreg:s7], $0x5FFFF  }
0xac: {  	[dreg:$0x1] =	wrdreg $0xFFFFFFFF  }
0xad: {  	[dreg:$0x0] =	wrdreg $0x60  }
0xae: {  	[dreg:$0x2] =	wrdreg s24  }
0xaf: {  	[dreg:$0x3] =	wrdreg s2  }
0xb0: {  	[dreg:$0x4] =	wrdreg $0x9  }
0xb1: {  	_ =	task.clear_ibuf [dreg:s7], $0x5FFFF;
	_ =	strace $0x90000046  }
0xb2: {  	s29 =	simm.s32 $0x9;
	_ =	strace $0x80000048  }
0xb3: {  	_ =	swait.ge [sflag:s29], $0x1  }
0xb4: {  	[sflag:s29] =	ssyncadd.s32 $0xFFFFFFFF  }
0xb5: {  	_ =	strace $0x90000048  }
0xb6: {  	_ =	sfence  }
0xb7: {  	s30 =	sld [smem:$0x0];
	_ =	sdelay $0x2  }
0xb8: {  	s31 =	sshll.u32 s1, $0xD;
	s1 =	sshrl.u32 s1, $0x2  }
0xb9: {  	s3 =	sand.u32 $0x4000, s31;
	s1 =	sadd.s32 s1, s30  }
0xba: {  	s0 =	sor.u32 s3, s0;
	s1 =	sshll.u32 s1, $0x11  }
0xbb: {  	s0 =	sor.u32 s1, s0  }
0xbc: {  	s0 =	sadd.s32 $0x8F2B, s0  }
0xbd: {  	[sflag:s0] =	ssyncadd.remote.s32 $0x1  }
0xbe: {  	_ =	sfence.sel $0xFFFF  }
0xbf: {  	[dreg:$0x0] =	wrdreg $0xFFFFFFFF;
	(pc) =	sbr.abs _section_cstart, $3  }
0xc0: {  	[dreg:$0x1] =	wrdreg $0xFFFFFFFF  }
0xc1: {  	_ =	task.clear_ibuf [dreg:s7], $0x2FFFF;
	_ =	strace $0x9FFFFFFF  }
0xc2: {  	(tm) =	ssettm $0x7FFFFFFF  }
0xc3: {  	_ =	shalt  }
tec
execute0_lowered:
.L_overlay_start_1:
0x0: {  	(tag) =	ssettag $0x1  }
0x1: {  	s4 =	rddreg [dreg:$0x0]  }
0x2: {  	s5 =	rddreg [dreg:$0x1]  }
0x3: {  	s0 =	rddreg [dreg:$0x2]  }
0x4: {  	s2 =	simm.s32 $0x0;
	s3 =	srdreg.scid;
	s1 =	stileid.u32  }
0x5: {  	[smem:$0x7FF] =	sst s2;
	s6 =	sand.u32 $0x1, s3;
	s3 =	sadd.s32 $0x600, s4  }
0x6: {  	s8 =	sshll.u32 s1, $0x1;
	s4 =	sadd.s32 $0x800, s4;
	s7 =	ssub.s32 $0x2, s6  }
0x7: {  	_ =	strace $0x80000047;
	s6 =	sor.u32 s6, s8;
	s9 =	sshrl.u32 s7, $0x1  }
0x8: {  	s8 =	sshll.u32 s6, $0x1;
	s31 =	sshll.u32 s6, $0x3;
	s10 =	sshllo.u32 s6, $0x1  }
0x9: {  	s7 =	ssub.s32 s7, s9;
	s5 =	sadd.s32 s5, s31;
	v0 =	vmov s8;
	s8 =	simm.s32 $0x100  }
0xa: {  	v1 =	vmov s10;
	s9 =	simm.s32 $0x200;
	s6 =	smax.u32 s7, $0x1;
	s7 =	simm.s32 $0x1  }
.LBB2_1:
0xb: {  	[tilespmem:s2], [sflag:$0x1] =	stream.linear.gather [hbm4b:s3+s2], $0x100, $0x38;
	[tilespmem:$0x280] =	vst v63  }
0xc: {  	_ =	swait.ge [sflag:s7], $0x100  }
0xd: {  	[sflag:s7] =	ssyncset.done $0x0  }
0xe: {  	[sflag:s7] =	ssyncadd.s32 $0xFFFFFF00  }
0xf: {  	[tilespmem:s8], [sflag:$0x1] =	stream.linear.gather [hbm4b:s4+s2], $0x100, $0x38;
	[tilespmem:$0x280] =	vst v63  }
0x10: {  	_ =	swait.ge [sflag:s7], $0x100  }
0x11: {  	[sflag:s7] =	ssyncset.done $0x0  }
0x12: {  	[sflag:s7] =	ssyncadd.s32 $0xFFFFFF00  }
0x13: {  	v2 =	vld [tilespmem:$0x0]  }
0x14: {  	v3 =	vld [tilespmem:$0x100]  }
0x15: {  	v4 =	vld [tilespmem:$0x20]  }
0x16: {  	v5 =	vld [tilespmem:$0x120]  }
0x17: {  	v6 =	vld [tilespmem:$0x40]  }
0x18: {  	v7 =	vld [tilespmem:$0x140]  }
0x19: {  	v8 =	vld [tilespmem:$0x60]  }
0x1a: {  	v9 =	vld [tilespmem:$0x160]  }
0x1b: {  	v10 =	vld [tilespmem:$0x80]  }
0x1c: {  	v11 =	vld [tilespmem:$0x180]  }
0x1d: {  	v12 =	vld [tilespmem:$0xA0]  }
0x1e: {  	v13 =	vld [tilespmem:$0x1A0]  }
0x1f: {  	v14 =	vld [tilespmem:$0xC0]  }
0x20: {  	v15 =	vld [tilespmem:$0x1C0]  }
0x21: {  	v16 =	vld [tilespmem:$0xE0]  }
0x22: {  	v17 =	vld [tilespmem:$0x1E0]  }
0x23: {  	v18 =	vld [tilespmem:$0x10]  }
0x24: {  	v19 =	vld [tilespmem:$0x110]  }
0x25: {  	v20 =	vld [tilespmem:$0x30]  }
0x26: {  	v21 =	vld [tilespmem:$0x130]  }
0x27: {  	v22 =	vld [tilespmem:$0x50]  }
0x28: {  	v23 =	vld [tilespmem:$0x150]  }
0x29: {  	v24 =	vld [tilespmem:$0x70]  }
0x2a: {  	v25 =	vld [tilespmem:$0x170]  }
0x2b: {  	v26 =	vld [tilespmem:$0x90]  }
0x2c: {  	v27 =	vld [tilespmem:$0x190]  }
0x2d: {  	v28 =	vld [tilespmem:$0xB0]  }
0x2e: {  	v29 =	vld [tilespmem:$0x1B0]  }
0x2f: {  	v30 =	vld [tilespmem:$0xD0]  }
0x30: {  	v31 =	vld [tilespmem:$0x1D0]  }
0x31: {  	v32 =	vld [tilespmem:$0xF0]  }
0x32: {  	v33 =	vld [tilespmem:$0x1F0]  }
0x33: {  	v34 =	vld [tilespmem:$0x0]  }
0x34: {  	v35 =	vld [tilespmem:$0x100]  }
0x35: {  	v36 =	vld [tilespmem:$0x20]  }
0x36: {  	v37 =	vld [tilespmem:$0x120]  }
0x37: {  	v38 =	vld [tilespmem:$0x40]  }
0x38: {  	v51 =	vld [tilespmem:$0x60];
	v3 =	vadd.f32 $0.0e+00, v3;
	vm0 =	veq.s32 v2, v0;
	vm1 =	veq.s32 v4, v0  }
0x39: {  	v52 =	vld [tilespmem:$0x160];
	v50 =	vadd.f32 $0.0e+00, v19;
	vm10 =	veq.s32 v6, v0;
	vm11 =	veq.s32 v18, v0  }
0x3a: {  	v53 =	vld [tilespmem:$0x80];
	vm12 =	veq.s32 v20, v0;
	vm13 =	veq.s32 v8, v0;
	vm14 =	veq.s32 v22, v0  }
0x3b: {  	v55 =	vld [tilespmem:$0x180];
	vm15 =	veq.s32 v10, v0;
	vm4 =	veq.s32 v24, v0;
	vm5 =	veq.s32 v12, v0  }
0x3c: {  	v39 =	vld [tilespmem:$0x130];
	vm6 =	veq.s32 v26, v0;
	vm7 =	veq.s32 v14, v0;
	vm8 =	veq.s32 v28, v0  }
0x3d: {  	v41 =	vld [tilespmem:$0x50];
	vm9 =	veq.s32 v16, v0;
	v35 =	vadd.f32 $0.0e+00, v35;
	v4 =	vnsel vm1, $0x0, v5  }
0x3e: {  	v44 =	vld [tilespmem:$0x70];
	v6 =	vnsel vm10, $0x0, v7;
	v54 =	vnsel vm12, $0x0, v21;
	v56 =	vnsel vm13, $0x0, v9  }
0x3f: {  	v47 =	vld [tilespmem:$0x90];
	v57 =	vnsel vm14, $0x0, v23;
	v59 =	vnsel vm15, $0x0, v11;
	v60 =	vnsel vm4, $0x0, v25  }
0x40: {  	v42 =	vld [tilespmem:$0x150];
	v62 =	vnsel vm5, $0x0, v13;
	v23 =	vnsel vm6, $0x0, v27;
	v25 =	vnsel vm7, $0x0, v15  }
0x41: {  	v45 =	vld [tilespmem:$0x170];
	v27 =	vnsel vm8, $0x0, v29;
	v29 =	vnsel vm9, $0x0, v17;
	vm10 =	veq.s32 v30, v0  }
0x42: {  	v2 =	vld [tilespmem:$0x140];
	vm12 =	veq.s32 v34, v1;
	vm13 =	veq.s32 v36, v1;
	vm4 =	veq.s32 v38, v1  }
0x43: {  	v26 =	vld [tilespmem:$0x110];
	vm5 =	veq.s32 v41, v1;
	vm6 =	veq.s32 v51, v1;
	vm7 =	veq.s32 v44, v1  }
0x44: {  	v28 =	vld [tilespmem:$0x10];
	vm8 =	veq.s32 v53, v1;
	vm9 =	veq.s32 v47, v1;
	v3 =	vnsel vm0, $0x0, v3  }
0x45: {  	v30 =	vld [tilespmem:$0x30];
	v5 =	vnsel vm11, $0x0, v50;
	v31 =	vnsel vm10, $0x0, v31;
	vm11 =	veq.s32 v32, v0  }
0x46: {  	v9 =	vld [tilespmem:$0xA0];
	v20 =	vnsel vm12, $0x0, v35;
	v43 =	vnsel vm13, $0x0, v37;
	v3 =	vadd.f32 v4, v3  }
0x47: {  	v11 =	vld [tilespmem:$0xC0];
	v49 =	vnsel vm5, $0x0, v42;
	v5 =	vadd.f32 v54, v5;
	v40 =	vnsel vm11, $0x0, v33  }
0x48: {  	v53 =	vld [tilespmem:$0xD0];
	v4 =	vnsel vm6, $0x0, v52;
	v52 =	vnsel vm7, $0x0, v45;
	v3 =	vadd.f32 v6, v3  }
0x49: {  	v48 =	vld [tilespmem:$0x190];
	v54 =	vnsel vm8, $0x0, v55;
	v5 =	vadd.f32 v57, v5;
	v15 =	vadd.f32 $0.0e+00, v26  }
0x4a: {  	v58 =	vld [tilespmem:$0x1A0];
	vm14 =	veq.s32 v28, v1;
	v6 =	vadd.f32 v43, v20;
	vm15 =	veq.s32 v30, v1  }
0x4b: {  	v50 =	vld [tilespmem:$0xB0];
	v2 =	vnsel vm4, $0x0, v2;
	v15 =	vnsel vm14, $0x0, v15;
	v46 =	vnsel vm15, $0x0, v39  }
0x4c: {  	v61 =	vld [tilespmem:$0x1C0];
	vm10 =	veq.s32 v9, v1;
	vm12 =	veq.s32 v11, v1;
	v15 =	vadd.f32 v46, v15  }
0x4d: {  	v63 =	vld [tilespmem:$0xE0];
	vm13 =	veq.s32 v53, v1;
	v3 =	vadd.f32 v56, v3;
	v2 =	vadd.f32 v2, v6  }
0x4e: {  	v51 =	vld [tilespmem:$0x1B0];
	v5 =	vadd.f32 v60, v5;
	v56 =	vnsel vm9, $0x0, v48;
	v6 =	vadd.f32 v49, v15  }
0x4f: {  	v24 =	vld [tilespmem:$0x1E0];
	v58 =	vnsel vm10, $0x0, v58;
	v3 =	vadd.f32 v59, v3;
	v2 =	vadd.f32 v4, v2  }
0x50: {  	v55 =	vld [tilespmem:$0x1D0];
	vm11 =	veq.s32 v50, v1;
	v5 =	vadd.f32 v23, v5;
	v4 =	vadd.f32 v52, v6  }
0x51: {  	v57 =	vld [tilespmem:$0xF0];
	v61 =	vnsel vm12, $0x0, v61;
	v3 =	vadd.f32 v62, v3;
	v2 =	vadd.f32 v54, v2  }
0x52: {  	vm14 =	veq.s32 v63, v1;
	v59 =	vld [tilespmem:$0x1F0];
	v5 =	vadd.f32 v27, v5;
	v4 =	vadd.f32 v56, v4  }
0x53: {  	v60 =	vnsel vm11, $0x0, v51;
	v3 =	vadd.f32 v25, v3;
	v2 =	vadd.f32 v58, v2  }
0x54: {  	v63 =	vnsel vm14, $0x0, v24;
	v5 =	vadd.f32 v31, v5;
	v4 =	vadd.f32 v60, v4  }
0x55: {  	v62 =	vnsel vm13, $0x0, v55;
	v3 =	vadd.f32 v29, v3;
	v2 =	vadd.f32 v61, v2  }
0x56: {  	vm15 =	veq.s32 v57, v1;
	v5 =	vadd.f32 v40, v5;
	v4 =	vadd.f32 v62, v4  }
0x57: {  	[tilespmem:$0x200] =	vst v3;
	v2 =	vadd.f32 v63, v2;
	v3 =	vnsel vm15, $0x0, v59  }
0x58: {  	[tilespmem:$0x210] =	vst v5;
	v3 =	vadd.f32 v3, v4  }
0x59: {  	p0 =	sne.s32 s6, $0x1;
	[tilespmem:$0x220] =	vst v2  }
.Ltmp0:
0x5a: {  	[tilespmem:$0x230] =	vst v3;
	(pc) =	sbr.rel @p0 .LBB2_1-.Ltmp0, $4  }
0x5b: {  	[hbm4b:s5+s2] =	stream.linear.scatter [tilespmem:s9], [sflag:$0x1], $0x40, $0x38;
	[tilespmem:$0x280] =	vst v63  }
0x5c: {  	_ =	swait.ge [sflag:s7], $0x40  }
0x5d: {  	[sflag:s7] =	ssyncset.done $0x0  }
0x5e: {  	s6 =	sadd.s32 $0xFFFFFFFF, s6;
	[sflag:s7] =	ssyncadd.s32 $0xFFFFFFC0  }
0x5f: {  	_ =	sfence.sel $0x180000  }
0x60: {  	[bflag:$0x0] =	sbarrier.arrive $0xFFFF  }
0x61: {  	p0 =	sne.s32 s1, $0x0;
	_ =	strace $0x90000047  }
0x62: {  	s0 =	sadd.s32 @!p0 $0x100000, s0;
	[bflag:$0x2] =	sbarrier.arrive $0xFFFF  }
0x63: {  	[sflag:s0] =	ssyncadd.tile.s32 @!p0 $0x1;
	_ =	shalt  }
.Lfunc_end2:
_tile_overlayer_lowered:
.L_overlay_start_2:
0x64: {  	(tag) =	ssettag $0x2  }
0x65: {  	s0 =	rddreg [dreg:$0x0];
	s2 =	stileid.u32  }
0x66: {  	s1 =	rddreg [dreg:$0x1];
	p0 =	sne.s32 s2, $0x0  }
0x67: {  	s3 =	rddreg [dreg:$0x2];
	[bflag:$0x3] =	sbarrier.arrive $0xFFFF;
	s2 =	simm.s32 @!p0 $0x1C01  }
0x68: {  	[timem:s3], [sflag:s2] =	dma.local @!p0 [hbm:s0], s1  }
0x69: {  	s0 =	simm.s32 @!p0 $0x1  }
0x6a: {  	_ =	swait.ge @!p0 [sflag:s0], s1  }
0x6b: {  	s1 =	ssub.s32 @!p0 $0x0, s1;
	[sflag:s0] =	ssyncset.done @!p0 $0x0  }
0x6c: {  	[sflag:s0] =	ssyncadd.s32 @!p0 s1  }
0x6d: {  	[bflag:$0x3] =	sbarrier.arrive $0xFFFF  }
0x6e: {  	_ =	shalt  }

</sc_bundles>
